<compile_context>
chip_gen: v7x
topology: tpu7x:2x2x1
jax: 0.10.2.dev20260603
libtpu: 0.0.44.dev20260713+nightly
codegen_flags: <defaults>
</compile_context>

<pallas_src>
import functools

import jax
import jax.numpy as jnp
from jax import lax
from jax.experimental import pallas as pl
from jax.experimental.pallas import tpu as pltpu
from jax.experimental.pallas import tpu_sc as plsc

B = 1024
NEG = 256
DIM = 64
NC, NS = 2, 16
NW = NC * NS
ROWS_PER_W = B // NW
GROUP = NEG + 1
NSEG = 3
SEG = (128, 128, GROUP - 256)
NBUF = 4


def _sc_gather(tail_idx, hr_idx, entity_embedding, relation_embedding):
    mesh = plsc.VectorSubcoreMesh(core_axis_name="c", subcore_axis_name="s")

    @functools.partial(
        pl.kernel,
        out_type=(
            jax.ShapeDtypeStruct((B, GROUP, DIM), jnp.float32),
            jax.ShapeDtypeStruct((2 * B, DIM), jnp.float32),
        ),
        mesh=mesh,
        compiler_params=pltpu.CompilerParams(use_tc_tiling_on_sc=False),
        scratch_types=[
            pltpu.VMEM((ROWS_PER_W, NSEG, 128), jnp.int32),
            pltpu.VMEM((NBUF, GROUP, DIM), jnp.float32),
            pltpu.VMEM((2, ROWS_PER_W), jnp.int32),
            pltpu.VMEM((2, ROWS_PER_W, DIM), jnp.float32),
        ]
        + [pltpu.SemaphoreType.DMA] * (2 * NBUF + 2),
    )
    def k(tidx_hbm, hridx_hbm, ent_hbm, rel_hbm,
          tail_out, hr_out,
          idx_v, rows_v, hridx_v, hrrows_v, *sems):
        gsem = sems[:NBUF]
        osem = sems[NBUF:2 * NBUF]
        hsem, rsem = sems[2 * NBUF], sems[2 * NBUF + 1]
        w = lax.axis_index("s") * NC + lax.axis_index("c")
        base = w * ROWS_PER_W

        pltpu.sync_copy(tidx_hbm.at[w], idx_v)
        pltpu.sync_copy(hridx_hbm.at[w], hridx_v)

        pltpu.async_copy(ent_hbm.at[hridx_v.at[0]], hrrows_v.at[0], hsem)
        pltpu.async_copy(rel_hbm.at[hridx_v.at[1]], hrrows_v.at[1], rsem)

        def start_group(g, b):
            off = 0
            for s in range(NSEG):
                pltpu.async_copy(
                    ent_hbm.at[idx_v.at[g, s, pl.ds(0, SEG[s])]],
                    rows_v.at[b, pl.ds(off, SEG[s])], gsem[b])
                off += SEG[s]

        def wait_group(g, b):
            off = 0
            for s in range(NSEG):
                pltpu.make_async_copy(
                    ent_hbm.at[idx_v.at[g, s, pl.ds(0, SEG[s])]],
                    rows_v.at[b, pl.ds(off, SEG[s])], gsem[b]).wait()
                off += SEG[s]

        for b in range(NBUF):
            start_group(b, b)

        @pl.loop(0, ROWS_PER_W, step=NBUF)
        def _(g0):
            for b in range(NBUF):
                g = g0 + b
                wait_group(g, b)
                pltpu.async_copy(rows_v.at[b], tail_out.at[base + g], osem[b])
                pltpu.make_async_copy(
                    rows_v.at[b], tail_out.at[base + g], osem[b]).wait()

                @pl.when(g + NBUF < ROWS_PER_W)
                def _():
                    start_group(g + NBUF, b)

        pltpu.make_async_copy(ent_hbm.at[hridx_v.at[0]], hrrows_v.at[0], hsem).wait()
        pltpu.sync_copy(hrrows_v.at[0], hr_out.at[pl.ds(base, ROWS_PER_W)])
        pltpu.make_async_copy(rel_hbm.at[hridx_v.at[1]], hrrows_v.at[1], rsem).wait()
        pltpu.sync_copy(hrrows_v.at[1], hr_out.at[pl.ds(B + base, ROWS_PER_W)])

    return k(tail_idx, hr_idx, entity_embedding, relation_embedding)


def kernel(positive, negative, entity_embedding, relation_embedding):
    pos = positive.astype(jnp.int32)
    neg = negative.astype(jnp.int32)

    row_idx = jnp.concatenate([pos[:, 2:3], neg], axis=1)
    row_idx = jnp.pad(row_idx, ((0, 0), (0, NSEG * 128 - GROUP)))
    tail_idx = row_idx.reshape(NW, ROWS_PER_W, NSEG, 128)
    hr_idx = jnp.stack(
        [pos[:, 0].reshape(NW, ROWS_PER_W), pos[:, 1].reshape(NW, ROWS_PER_W)],
        axis=1)

    tail, hr = _sc_gather(tail_idx, hr_idx, entity_embedding, relation_embedding)
    head = hr[:B].reshape(B, 1, DIM)
    relation = hr[B:].reshape(B, 1, DIM)
    return (head, relation, tail)

# --- scband reference (transcript-rebuilt; emitter-appended) ---
"""Pipeline reference for scband-mul-demanager-51694226375041 (READ-ONLY COPY).

The authoritative reference and input builder live on the scoring server;
editing this copy changes nothing except your own understanding.
"""

import jax, jax.numpy as jnp
import numpy as np

NENTITY = 1000000
NRELATION = 1000
DIM = 64  # target_dim * entity_mul

def setup_inputs(seed: int = 0) -> dict:
    key = jax.random.key(seed)
    k1, k2, k3, k4 = jax.random.split(key, 4)
    # positive triples (h, r, t); clamp all cols to < NRELATION so relation col is in-range
    positive = jax.random.randint(k1, (1024, 3), 0, 1000, dtype=jnp.int64)
    negative = jax.random.randint(k2, (1024, 256), 0, NENTITY, dtype=jnp.int64)
    entity_embedding = jax.random.normal(k3, (NENTITY, DIM), dtype=jnp.float32) * 0.05
    relation_embedding = jax.random.normal(k4, (NRELATION, DIM), dtype=jnp.float32) * 0.05
    return {
        "positive": positive,
        "negative": negative,
        "entity_embedding": entity_embedding,
        "relation_embedding": relation_embedding,
    }

def reference(positive, negative, entity_embedding, relation_embedding):
    # get_student_embedding with mode='tail-batch' (EntityEmbeddingExtract + RelationEmbeddingExtract)
    batch_size, negative_sample_size = negative.shape
    neg_tail = jnp.take(entity_embedding, negative.reshape(-1), axis=0).reshape(
        batch_size, negative_sample_size, -1)
    pos_tail = jnp.take(entity_embedding, positive[:, 2], axis=0)[:, None, :]
    tail = jnp.concatenate([pos_tail, neg_tail], axis=1)
    head = jnp.take(entity_embedding, positive[:, 0], axis=0)[:, None, :]
    relation = jnp.take(relation_embedding, positive[:, 1], axis=0)[:, None, :]
    return (head, relation, tail)

if __name__ == "__main__":
    import jax
    _d = setup_inputs()
    print(jax.jit(kernel)(*tuple(_d.values())))

</pallas_src>

<mosaic_0001>
#map = affine_map<(d0, d1) -> (0, 0, 0, 0)>
#map1 = affine_map<(d0, d1) -> (0, 0, 0)>
#map2 = affine_map<(d0, d1) -> (0, 0)>
module attributes {stable_mosaic.version = 14 : i64} {
  func.func @k(%arg0: i32, %arg1: i32, %arg2: memref<32x32x3x128xi32, #tpu.memory_space<hbm>>, %arg3: memref<32x2x32xi32, #tpu.memory_space<hbm>>, %arg4: memref<1000000x64xf32, #tpu.memory_space<hbm>>, %arg5: memref<1000x64xf32, #tpu.memory_space<hbm>>, %arg6: memref<1024x257x64xf32, #tpu.memory_space<hbm>>, %arg7: memref<2048x64xf32, #tpu.memory_space<hbm>>, %arg8: memref<32x3x128xi32, #tpu.memory_space<vmem>>, %arg9: memref<4x257x64xf32, #tpu.memory_space<vmem>>, %arg10: memref<2x32xi32, #tpu.memory_space<vmem>>, %arg11: memref<2x32x64xf32, #tpu.memory_space<vmem>>, %arg12: memref<!tpu.dma_semaphore, #tpu.memory_space<semaphore_mem>>, %arg13: memref<!tpu.dma_semaphore, #tpu.memory_space<semaphore_mem>>, %arg14: memref<!tpu.dma_semaphore, #tpu.memory_space<semaphore_mem>>, %arg15: memref<!tpu.dma_semaphore, #tpu.memory_space<semaphore_mem>>, %arg16: memref<!tpu.dma_semaphore, #tpu.memory_space<semaphore_mem>>, %arg17: memref<!tpu.dma_semaphore, #tpu.memory_space<semaphore_mem>>, %arg18: memref<!tpu.dma_semaphore, #tpu.memory_space<semaphore_mem>>, %arg19: memref<!tpu.dma_semaphore, #tpu.memory_space<semaphore_mem>>, %arg20: memref<!tpu.dma_semaphore, #tpu.memory_space<semaphore_mem>>, %arg21: memref<!tpu.dma_semaphore, #tpu.memory_space<semaphore_mem>>) attributes {dimension_semantics = [#tpu.dimension_semantics<core_parallel>, #tpu.dimension_semantics<subcore_parallel>], iteration_bounds = array<i64: 2, 16>, scalar_prefetch = 0 : i64, scratch_operands = 14 : i64, tpu.core_type = #tpu.core_type<sc_vector_subcore>, window_params = [{transform_indices = #map}, {transform_indices = #map1}, {transform_indices = #map2}, {transform_indices = #map2}, {transform_indices = #map1}, {transform_indices = #map2}]} {
    %mul3A = arith.constant 2 : i32
    %mul3A_0 = arith.muli %arg1, %mul3A : i32
    %add3A = arith.addi %mul3A_0, %arg0 : i32
    %mul3A_1 = arith.constant 32 : i32
    %mul3A_2 = arith.muli %add3A, %mul3A_1 : i32
    "tpu.region"() ({
      %run_scoped3A_212 = tpu.sem_alloc : memref<!tpu.dma_semaphore, #tpu.memory_space<semaphore_mem>>
      %dma_start3A_213 = arith.constant 0 : i32
      %dma_start3A_214 = arith.constant 0 : i32
      %dma_start3A_215 = arith.constant 0 : i32
      %dma_start3A_216 = tpu.memref_slice %arg2[%add3A, %dma_start3A_213, %dma_start3A_214, %dma_start3A_215] : memref<32x32x3x128xi32, #tpu.memory_space<hbm>> -> memref<1x32x3x128xi32, #tpu.memory_space<hbm>>
      %dma_start3A_217 = tpu.memref_squeeze %dma_start3A_216 : memref<1x32x3x128xi32, #tpu.memory_space<hbm>> -> memref<32x3x128xi32, #tpu.memory_space<hbm>>
      %dma_start3A_218 = arith.constant 0 : i32
      %dma_start3A_219 = arith.constant 0 : i32
      %dma_start3A_220 = arith.constant 0 : i32
      %dma_start3A_221 = tpu.memref_slice %arg2[%add3A, %dma_start3A_218, %dma_start3A_219, %dma_start3A_220] : memref<32x32x3x128xi32, #tpu.memory_space<hbm>> -> memref<1x32x3x128xi32, #tpu.memory_space<hbm>>
      %dma_start3A_222 = tpu.memref_squeeze %dma_start3A_221 : memref<1x32x3x128xi32, #tpu.memory_space<hbm>> -> memref<32x3x128xi32, #tpu.memory_space<hbm>>
      tpu.enqueue_dma source(%dma_start3A_222 : memref<32x3x128xi32, #tpu.memory_space<hbm>>) target(%arg8 : memref<32x3x128xi32, #tpu.memory_space<vmem>>) target_semaphore(%run_scoped3A_212 : memref<!tpu.dma_semaphore, #tpu.memory_space<semaphore_mem>>)
      %dma_wait3A_223 = arith.constant 0 : i32
      %dma_wait3A_224 = arith.constant 0 : i32
      %dma_wait3A_225 = arith.constant 0 : i32
      %dma_wait3A_226 = tpu.memref_slice %arg2[%add3A, %dma_wait3A_223, %dma_wait3A_224, %dma_wait3A_225] : memref<32x32x3x128xi32, #tpu.memory_space<hbm>> -> memref<1x32x3x128xi32, #tpu.memory_space<hbm>>
      %dma_wait3A_227 = tpu.memref_squeeze %dma_wait3A_226 : memref<1x32x3x128xi32, #tpu.memory_space<hbm>> -> memref<32x3x128xi32, #tpu.memory_space<hbm>>
      %dma_wait3A_228 = arith.constant 0 : i32
      %dma_wait3A_229 = arith.constant 0 : i32
      %dma_wait3A_230 = arith.constant 0 : i32
      %dma_wait3A_231 = tpu.memref_slice %arg2[%add3A, %dma_wait3A_228, %dma_wait3A_229, %dma_wait3A_230] : memref<32x32x3x128xi32, #tpu.memory_space<hbm>> -> memref<1x32x3x128xi32, #tpu.memory_space<hbm>>
      %dma_wait3A_232 = tpu.memref_squeeze %dma_wait3A_231 : memref<1x32x3x128xi32, #tpu.memory_space<hbm>> -> memref<32x3x128xi32, #tpu.memory_space<hbm>>
      tpu.wait_dma2 semaphore(%run_scoped3A_212 : memref<!tpu.dma_semaphore, #tpu.memory_space<semaphore_mem>>) src(%dma_wait3A_232 : memref<32x3x128xi32, #tpu.memory_space<hbm>>) dst(%arg8 : memref<32x3x128xi32, #tpu.memory_space<vmem>>)
      tpu.yield
    }) : () -> ()
    "tpu.region"() ({
      %run_scoped3A_212 = tpu.sem_alloc : memref<!tpu.dma_semaphore, #tpu.memory_space<semaphore_mem>>
      %dma_start3A_213 = arith.constant 0 : i32
      %dma_start3A_214 = arith.constant 0 : i32
      %dma_start3A_215 = tpu.memref_slice %arg3[%add3A, %dma_start3A_213, %dma_start3A_214] : memref<32x2x32xi32, #tpu.memory_space<hbm>> -> memref<1x2x32xi32, #tpu.memory_space<hbm>>
      %dma_start3A_216 = tpu.memref_squeeze %dma_start3A_215 : memref<1x2x32xi32, #tpu.memory_space<hbm>> -> memref<2x32xi32, #tpu.memory_space<hbm>>
      %dma_start3A_217 = arith.constant 0 : i32
      %dma_start3A_218 = arith.constant 0 : i32
      %dma_start3A_219 = tpu.memref_slice %arg3[%add3A, %dma_start3A_217, %dma_start3A_218] : memref<32x2x32xi32, #tpu.memory_space<hbm>> -> memref<1x2x32xi32, #tpu.memory_space<hbm>>
      %dma_start3A_220 = tpu.memref_squeeze %dma_start3A_219 : memref<1x2x32xi32, #tpu.memory_space<hbm>> -> memref<2x32xi32, #tpu.memory_space<hbm>>
      tpu.enqueue_dma source(%dma_start3A_220 : memref<2x32xi32, #tpu.memory_space<hbm>>) target(%arg10 : memref<2x32xi32, #tpu.memory_space<vmem>>) target_semaphore(%run_scoped3A_212 : memref<!tpu.dma_semaphore, #tpu.memory_space<semaphore_mem>>)
      %dma_wait3A_221 = arith.constant 0 : i32
      %dma_wait3A_222 = arith.constant 0 : i32
      %dma_wait3A_223 = tpu.memref_slice %arg3[%add3A, %dma_wait3A_221, %dma_wait3A_222] : memref<32x2x32xi32, #tpu.memory_space<hbm>> -> memref<1x2x32xi32, #tpu.memory_space<hbm>>
      %dma_wait3A_224 = tpu.memref_squeeze %dma_wait3A_223 : memref<1x2x32xi32, #tpu.memory_space<hbm>> -> memref<2x32xi32, #tpu.memory_space<hbm>>
      %dma_wait3A_225 = arith.constant 0 : i32
      %dma_wait3A_226 = arith.constant 0 : i32
      %dma_wait3A_227 = tpu.memref_slice %arg3[%add3A, %dma_wait3A_225, %dma_wait3A_226] : memref<32x2x32xi32, #tpu.memory_space<hbm>> -> memref<1x2x32xi32, #tpu.memory_space<hbm>>
      %dma_wait3A_228 = tpu.memref_squeeze %dma_wait3A_227 : memref<1x2x32xi32, #tpu.memory_space<hbm>> -> memref<2x32xi32, #tpu.memory_space<hbm>>
      tpu.wait_dma2 semaphore(%run_scoped3A_212 : memref<!tpu.dma_semaphore, #tpu.memory_space<semaphore_mem>>) src(%dma_wait3A_228 : memref<2x32xi32, #tpu.memory_space<hbm>>) dst(%arg10 : memref<2x32xi32, #tpu.memory_space<vmem>>)
      tpu.yield
    }) : () -> ()
    %dma_start3A = arith.constant 0 : i32
    %dma_start3A_3 = arith.constant 0 : i32
    %dma_start3A_4 = arith.constant 0 : i32
    %dma_start3A_5 = arith.constant 0 : i32
    %dma_start3A_6 = tpu.memref_slice %arg11[%dma_start3A_3, %dma_start3A_4, %dma_start3A_5] : memref<2x32x64xf32, #tpu.memory_space<vmem>> -> memref<1x32x64xf32, #tpu.memory_space<vmem>>
    %dma_start3A_7 = tpu.memref_squeeze %dma_start3A_6 : memref<1x32x64xf32, #tpu.memory_space<vmem>> -> memref<32x64xf32, #tpu.memory_space<vmem>>
    %dma_start3A_8 = arith.constant 0 : i32
    %dma_start3A_9 = tpu.memref_slice %arg10[%dma_start3A, %dma_start3A_8] : memref<2x32xi32, #tpu.memory_space<vmem>> -> memref<1x32xi32, #tpu.memory_space<vmem>>
    %dma_start3A_10 = tpu.memref_squeeze %dma_start3A_9 : memref<1x32xi32, #tpu.memory_space<vmem>> -> memref<32xi32, #tpu.memory_space<vmem>>
    %dma_start3A_11 = arith.constant 0 : i32
    %dma_start3A_12 = arith.constant 0 : i32
    %dma_start3A_13 = tpu.memref_slice %arg4[%dma_start3A_11, %dma_start3A_12] : memref<1000000x64xf32, #tpu.memory_space<hbm>> -> memref<1000000x64xf32, #tpu.memory_space<hbm>>
    tpu.enqueue_indirect_dma source(%dma_start3A_13 : memref<1000000x64xf32, #tpu.memory_space<hbm>>) target(%dma_start3A_7 : memref<32x64xf32, #tpu.memory_space<vmem>>) offsets(%dma_start3A_10 : memref<32xi32, #tpu.memory_space<vmem>>) semaphore(%arg20 : memref<!tpu.dma_semaphore, #tpu.memory_space<semaphore_mem>>)
    %dma_start3A_14 = arith.constant 1 : i32
    %dma_start3A_15 = arith.constant 1 : i32
    %dma_start3A_16 = arith.constant 0 : i32
    %dma_start3A_17 = arith.constant 0 : i32
    %dma_start3A_18 = tpu.memref_slice %arg11[%dma_start3A_15, %dma_start3A_16, %dma_start3A_17] : memref<2x32x64xf32, #tpu.memory_space<vmem>> -> memref<1x32x64xf32, #tpu.memory_space<vmem>>
    %dma_start3A_19 = tpu.memref_squeeze %dma_start3A_18 : memref<1x32x64xf32, #tpu.memory_space<vmem>> -> memref<32x64xf32, #tpu.memory_space<vmem>>
    %dma_start3A_20 = arith.constant 0 : i32
    %dma_start3A_21 = tpu.memref_slice %arg10[%dma_start3A_14, %dma_start3A_20] : memref<2x32xi32, #tpu.memory_space<vmem>> -> memref<1x32xi32, #tpu.memory_space<vmem>>
    %dma_start3A_22 = tpu.memref_squeeze %dma_start3A_21 : memref<1x32xi32, #tpu.memory_space<vmem>> -> memref<32xi32, #tpu.memory_space<vmem>>
    %dma_start3A_23 = arith.constant 0 : i32
    %dma_start3A_24 = arith.constant 0 : i32
    %dma_start3A_25 = tpu.memref_slice %arg5[%dma_start3A_23, %dma_start3A_24] : memref<1000x64xf32, #tpu.memory_space<hbm>> -> memref<1000x64xf32, #tpu.memory_space<hbm>>
    tpu.enqueue_indirect_dma source(%dma_start3A_25 : memref<1000x64xf32, #tpu.memory_space<hbm>>) target(%dma_start3A_19 : memref<32x64xf32, #tpu.memory_space<vmem>>) offsets(%dma_start3A_22 : memref<32xi32, #tpu.memory_space<vmem>>) semaphore(%arg21 : memref<!tpu.dma_semaphore, #tpu.memory_space<semaphore_mem>>)
    %dma_start3A_26 = arith.constant 0 : i32
    %dma_start3A_27 = arith.constant 0 : i32
    %dma_start3A_28 = arith.constant 0 : i32
    %dma_start3A_29 = arith.constant 0 : i32
    %dma_start3A_30 = arith.constant 0 : i32
    %dma_start3A_31 = tpu.memref_slice %arg9[%dma_start3A_28, %dma_start3A_29, %dma_start3A_30] : memref<4x257x64xf32, #tpu.memory_space<vmem>> -> memref<1x128x64xf32, #tpu.memory_space<vmem>>
    %dma_start3A_32 = tpu.memref_squeeze %dma_start3A_31 : memref<1x128x64xf32, #tpu.memory_space<vmem>> -> memref<128x64xf32, #tpu.memory_space<vmem>>
    %dma_start3A_33 = arith.constant 0 : i32
    %dma_start3A_34 = tpu.memref_slice %arg8[%dma_start3A_26, %dma_start3A_27, %dma_start3A_33] : memref<32x3x128xi32, #tpu.memory_space<vmem>> -> memref<1x1x128xi32, #tpu.memory_space<vmem>>
    %dma_start3A_35 = tpu.memref_squeeze %dma_start3A_34 : memref<1x1x128xi32, #tpu.memory_space<vmem>> -> memref<128xi32, #tpu.memory_space<vmem>>
    %dma_start3A_36 = arith.constant 0 : i32
    %dma_start3A_37 = arith.constant 0 : i32
    %dma_start3A_38 = tpu.memref_slice %arg4[%dma_start3A_36, %dma_start3A_37] : memref<1000000x64xf32, #tpu.memory_space<hbm>> -> memref<1000000x64xf32, #tpu.memory_space<hbm>>
    tpu.enqueue_indirect_dma source(%dma_start3A_38 : memref<1000000x64xf32, #tpu.memory_space<hbm>>) target(%dma_start3A_32 : memref<128x64xf32, #tpu.memory_space<vmem>>) offsets(%dma_start3A_35 : memref<128xi32, #tpu.memory_space<vmem>>) semaphore(%arg12 : memref<!tpu.dma_semaphore, #tpu.memory_space<semaphore_mem>>)
    %dma_start3A_39 = arith.constant 0 : i32
    %dma_start3A_40 = arith.constant 1 : i32
    %dma_start3A_41 = arith.constant 0 : i32
    %dma_start3A_42 = arith.constant 128 : i32
    %dma_start3A_43 = arith.constant 0 : i32
    %dma_start3A_44 = tpu.memref_slice %arg9[%dma_start3A_41, %dma_start3A_42, %dma_start3A_43] : memref<4x257x64xf32, #tpu.memory_space<vmem>> -> memref<1x128x64xf32, #tpu.memory_space<vmem>>
    %dma_start3A_45 = tpu.memref_squeeze %dma_start3A_44 : memref<1x128x64xf32, #tpu.memory_space<vmem>> -> memref<128x64xf32, #tpu.memory_space<vmem>>
    %dma_start3A_46 = arith.constant 0 : i32
    %dma_start3A_47 = tpu.memref_slice %arg8[%dma_start3A_39, %dma_start3A_40, %dma_start3A_46] : memref<32x3x128xi32, #tpu.memory_space<vmem>> -> memref<1x1x128xi32, #tpu.memory_space<vmem>>
    %dma_start3A_48 = tpu.memref_squeeze %dma_start3A_47 : memref<1x1x128xi32, #tpu.memory_space<vmem>> -> memref<128xi32, #tpu.memory_space<vmem>>
    %dma_start3A_49 = arith.constant 0 : i32
    %dma_start3A_50 = arith.constant 0 : i32
    %dma_start3A_51 = tpu.memref_slice %arg4[%dma_start3A_49, %dma_start3A_50] : memref<1000000x64xf32, #tpu.memory_space<hbm>> -> memref<1000000x64xf32, #tpu.memory_space<hbm>>
    tpu.enqueue_indirect_dma source(%dma_start3A_51 : memref<1000000x64xf32, #tpu.memory_space<hbm>>) target(%dma_start3A_45 : memref<128x64xf32, #tpu.memory_space<vmem>>) offsets(%dma_start3A_48 : memref<128xi32, #tpu.memory_space<vmem>>) semaphore(%arg12 : memref<!tpu.dma_semaphore, #tpu.memory_space<semaphore_mem>>)
    %dma_start3A_52 = arith.constant 0 : i32
    %dma_start3A_53 = arith.constant 2 : i32
    %dma_start3A_54 = arith.constant 0 : i32
    %dma_start3A_55 = arith.constant 256 : i32
    %dma_start3A_56 = arith.constant 0 : i32
    %dma_start3A_57 = tpu.memref_slice %arg9[%dma_start3A_54, %dma_start3A_55, %dma_start3A_56] : memref<4x257x64xf32, #tpu.memory_space<vmem>> -> memref<1x1x64xf32, #tpu.memory_space<vmem>>
    %dma_start3A_58 = tpu.memref_squeeze %dma_start3A_57 : memref<1x1x64xf32, #tpu.memory_space<vmem>> -> memref<1x64xf32, #tpu.memory_space<vmem>>
    %dma_start3A_59 = arith.constant 0 : i32
    %dma_start3A_60 = tpu.memref_slice %arg8[%dma_start3A_52, %dma_start3A_53, %dma_start3A_59] : memref<32x3x128xi32, #tpu.memory_space<vmem>> -> memref<1x1x1xi32, #tpu.memory_space<vmem>>
    %dma_start3A_61 = tpu.memref_squeeze %dma_start3A_60 : memref<1x1x1xi32, #tpu.memory_space<vmem>> -> memref<1xi32, #tpu.memory_space<vmem>>
    %dma_start3A_62 = arith.constant 0 : i32
    %dma_start3A_63 = arith.constant 0 : i32
    %dma_start3A_64 = tpu.memref_slice %arg4[%dma_start3A_62, %dma_start3A_63] : memref<1000000x64xf32, #tpu.memory_space<hbm>> -> memref<1000000x64xf32, #tpu.memory_space<hbm>>
    tpu.enqueue_indirect_dma source(%dma_start3A_64 : memref<1000000x64xf32, #tpu.memory_space<hbm>>) target(%dma_start3A_58 : memref<1x64xf32, #tpu.memory_space<vmem>>) offsets(%dma_start3A_61 : memref<1xi32, #tpu.memory_space<vmem>>) semaphore(%arg12 : memref<!tpu.dma_semaphore, #tpu.memory_space<semaphore_mem>>)
    %dma_start3A_65 = arith.constant 1 : i32
    %dma_start3A_66 = arith.constant 0 : i32
    %dma_start3A_67 = arith.constant 1 : i32
    %dma_start3A_68 = arith.constant 0 : i32
    %dma_start3A_69 = arith.constant 0 : i32
    %dma_start3A_70 = tpu.memref_slice %arg9[%dma_start3A_67, %dma_start3A_68, %dma_start3A_69] : memref<4x257x64xf32, #tpu.memory_space<vmem>> -> memref<1x128x64xf32, #tpu.memory_space<vmem>>
    %dma_start3A_71 = tpu.memref_squeeze %dma_start3A_70 : memref<1x128x64xf32, #tpu.memory_space<vmem>> -> memref<128x64xf32, #tpu.memory_space<vmem>>
    %dma_start3A_72 = arith.constant 0 : i32
    %dma_start3A_73 = tpu.memref_slice %arg8[%dma_start3A_65, %dma_start3A_66, %dma_start3A_72] : memref<32x3x128xi32, #tpu.memory_space<vmem>> -> memref<1x1x128xi32, #tpu.memory_space<vmem>>
    %dma_start3A_74 = tpu.memref_squeeze %dma_start3A_73 : memref<1x1x128xi32, #tpu.memory_space<vmem>> -> memref<128xi32, #tpu.memory_space<vmem>>
    %dma_start3A_75 = arith.constant 0 : i32
    %dma_start3A_76 = arith.constant 0 : i32
    %dma_start3A_77 = tpu.memref_slice %arg4[%dma_start3A_75, %dma_start3A_76] : memref<1000000x64xf32, #tpu.memory_space<hbm>> -> memref<1000000x64xf32, #tpu.memory_space<hbm>>
    tpu.enqueue_indirect_dma source(%dma_start3A_77 : memref<1000000x64xf32, #tpu.memory_space<hbm>>) target(%dma_start3A_71 : memref<128x64xf32, #tpu.memory_space<vmem>>) offsets(%dma_start3A_74 : memref<128xi32, #tpu.memory_space<vmem>>) semaphore(%arg13 : memref<!tpu.dma_semaphore, #tpu.memory_space<semaphore_mem>>)
    %dma_start3A_78 = arith.constant 1 : i32
    %dma_start3A_79 = arith.constant 1 : i32
    %dma_start3A_80 = arith.constant 1 : i32
    %dma_start3A_81 = arith.constant 128 : i32
    %dma_start3A_82 = arith.constant 0 : i32
    %dma_start3A_83 = tpu.memref_slice %arg9[%dma_start3A_80, %dma_start3A_81, %dma_start3A_82] : memref<4x257x64xf32, #tpu.memory_space<vmem>> -> memref<1x128x64xf32, #tpu.memory_space<vmem>>
    %dma_start3A_84 = tpu.memref_squeeze %dma_start3A_83 : memref<1x128x64xf32, #tpu.memory_space<vmem>> -> memref<128x64xf32, #tpu.memory_space<vmem>>
    %dma_start3A_85 = arith.constant 0 : i32
    %dma_start3A_86 = tpu.memref_slice %arg8[%dma_start3A_78, %dma_start3A_79, %dma_start3A_85] : memref<32x3x128xi32, #tpu.memory_space<vmem>> -> memref<1x1x128xi32, #tpu.memory_space<vmem>>
    %dma_start3A_87 = tpu.memref_squeeze %dma_start3A_86 : memref<1x1x128xi32, #tpu.memory_space<vmem>> -> memref<128xi32, #tpu.memory_space<vmem>>
    %dma_start3A_88 = arith.constant 0 : i32
    %dma_start3A_89 = arith.constant 0 : i32
    %dma_start3A_90 = tpu.memref_slice %arg4[%dma_start3A_88, %dma_start3A_89] : memref<1000000x64xf32, #tpu.memory_space<hbm>> -> memref<1000000x64xf32, #tpu.memory_space<hbm>>
    tpu.enqueue_indirect_dma source(%dma_start3A_90 : memref<1000000x64xf32, #tpu.memory_space<hbm>>) target(%dma_start3A_84 : memref<128x64xf32, #tpu.memory_space<vmem>>) offsets(%dma_start3A_87 : memref<128xi32, #tpu.memory_space<vmem>>) semaphore(%arg13 : memref<!tpu.dma_semaphore, #tpu.memory_space<semaphore_mem>>)
    %dma_start3A_91 = arith.constant 1 : i32
    %dma_start3A_92 = arith.constant 2 : i32
    %dma_start3A_93 = arith.constant 1 : i32
    %dma_start3A_94 = arith.constant 256 : i32
    %dma_start3A_95 = arith.constant 0 : i32
    %dma_start3A_96 = tpu.memref_slice %arg9[%dma_start3A_93, %dma_start3A_94, %dma_start3A_95] : memref<4x257x64xf32, #tpu.memory_space<vmem>> -> memref<1x1x64xf32, #tpu.memory_space<vmem>>
    %dma_start3A_97 = tpu.memref_squeeze %dma_start3A_96 : memref<1x1x64xf32, #tpu.memory_space<vmem>> -> memref<1x64xf32, #tpu.memory_space<vmem>>
    %dma_start3A_98 = arith.constant 0 : i32
    %dma_start3A_99 = tpu.memref_slice %arg8[%dma_start3A_91, %dma_start3A_92, %dma_start3A_98] : memref<32x3x128xi32, #tpu.memory_space<vmem>> -> memref<1x1x1xi32, #tpu.memory_space<vmem>>
    %dma_start3A_100 = tpu.memref_squeeze %dma_start3A_99 : memref<1x1x1xi32, #tpu.memory_space<vmem>> -> memref<1xi32, #tpu.memory_space<vmem>>
    %dma_start3A_101 = arith.constant 0 : i32
    %dma_start3A_102 = arith.constant 0 : i32
    %dma_start3A_103 = tpu.memref_slice %arg4[%dma_start3A_101, %dma_start3A_102] : memref<1000000x64xf32, #tpu.memory_space<hbm>> -> memref<1000000x64xf32, #tpu.memory_space<hbm>>
    tpu.enqueue_indirect_dma source(%dma_start3A_103 : memref<1000000x64xf32, #tpu.memory_space<hbm>>) target(%dma_start3A_97 : memref<1x64xf32, #tpu.memory_space<vmem>>) offsets(%dma_start3A_100 : memref<1xi32, #tpu.memory_space<vmem>>) semaphore(%arg13 : memref<!tpu.dma_semaphore, #tpu.memory_space<semaphore_mem>>)
    %dma_start3A_104 = arith.constant 2 : i32
    %dma_start3A_105 = arith.constant 0 : i32
    %dma_start3A_106 = arith.constant 2 : i32
    %dma_start3A_107 = arith.constant 0 : i32
    %dma_start3A_108 = arith.constant 0 : i32
    %dma_start3A_109 = tpu.memref_slice %arg9[%dma_start3A_106, %dma_start3A_107, %dma_start3A_108] : memref<4x257x64xf32, #tpu.memory_space<vmem>> -> memref<1x128x64xf32, #tpu.memory_space<vmem>>
    %dma_start3A_110 = tpu.memref_squeeze %dma_start3A_109 : memref<1x128x64xf32, #tpu.memory_space<vmem>> -> memref<128x64xf32, #tpu.memory_space<vmem>>
    %dma_start3A_111 = arith.constant 0 : i32
    %dma_start3A_112 = tpu.memref_slice %arg8[%dma_start3A_104, %dma_start3A_105, %dma_start3A_111] : memref<32x3x128xi32, #tpu.memory_space<vmem>> -> memref<1x1x128xi32, #tpu.memory_space<vmem>>
    %dma_start3A_113 = tpu.memref_squeeze %dma_start3A_112 : memref<1x1x128xi32, #tpu.memory_space<vmem>> -> memref<128xi32, #tpu.memory_space<vmem>>
    %dma_start3A_114 = arith.constant 0 : i32
    %dma_start3A_115 = arith.constant 0 : i32
    %dma_start3A_116 = tpu.memref_slice %arg4[%dma_start3A_114, %dma_start3A_115] : memref<1000000x64xf32, #tpu.memory_space<hbm>> -> memref<1000000x64xf32, #tpu.memory_space<hbm>>
    tpu.enqueue_indirect_dma source(%dma_start3A_116 : memref<1000000x64xf32, #tpu.memory_space<hbm>>) target(%dma_start3A_110 : memref<128x64xf32, #tpu.memory_space<vmem>>) offsets(%dma_start3A_113 : memref<128xi32, #tpu.memory_space<vmem>>) semaphore(%arg14 : memref<!tpu.dma_semaphore, #tpu.memory_space<semaphore_mem>>)
    %dma_start3A_117 = arith.constant 2 : i32
    %dma_start3A_118 = arith.constant 1 : i32
    %dma_start3A_119 = arith.constant 2 : i32
    %dma_start3A_120 = arith.constant 128 : i32
    %dma_start3A_121 = arith.constant 0 : i32
    %dma_start3A_122 = tpu.memref_slice %arg9[%dma_start3A_119, %dma_start3A_120, %dma_start3A_121] : memref<4x257x64xf32, #tpu.memory_space<vmem>> -> memref<1x128x64xf32, #tpu.memory_space<vmem>>
    %dma_start3A_123 = tpu.memref_squeeze %dma_start3A_122 : memref<1x128x64xf32, #tpu.memory_space<vmem>> -> memref<128x64xf32, #tpu.memory_space<vmem>>
    %dma_start3A_124 = arith.constant 0 : i32
    %dma_start3A_125 = tpu.memref_slice %arg8[%dma_start3A_117, %dma_start3A_118, %dma_start3A_124] : memref<32x3x128xi32, #tpu.memory_space<vmem>> -> memref<1x1x128xi32, #tpu.memory_space<vmem>>
    %dma_start3A_126 = tpu.memref_squeeze %dma_start3A_125 : memref<1x1x128xi32, #tpu.memory_space<vmem>> -> memref<128xi32, #tpu.memory_space<vmem>>
    %dma_start3A_127 = arith.constant 0 : i32
    %dma_start3A_128 = arith.constant 0 : i32
    %dma_start3A_129 = tpu.memref_slice %arg4[%dma_start3A_127, %dma_start3A_128] : memref<1000000x64xf32, #tpu.memory_space<hbm>> -> memref<1000000x64xf32, #tpu.memory_space<hbm>>
    tpu.enqueue_indirect_dma source(%dma_start3A_129 : memref<1000000x64xf32, #tpu.memory_space<hbm>>) target(%dma_start3A_123 : memref<128x64xf32, #tpu.memory_space<vmem>>) offsets(%dma_start3A_126 : memref<128xi32, #tpu.memory_space<vmem>>) semaphore(%arg14 : memref<!tpu.dma_semaphore, #tpu.memory_space<semaphore_mem>>)
    %dma_start3A_130 = arith.constant 2 : i32
    %dma_start3A_131 = arith.constant 2 : i32
    %dma_start3A_132 = arith.constant 2 : i32
    %dma_start3A_133 = arith.constant 256 : i32
    %dma_start3A_134 = arith.constant 0 : i32
    %dma_start3A_135 = tpu.memref_slice %arg9[%dma_start3A_132, %dma_start3A_133, %dma_start3A_134] : memref<4x257x64xf32, #tpu.memory_space<vmem>> -> memref<1x1x64xf32, #tpu.memory_space<vmem>>
    %dma_start3A_136 = tpu.memref_squeeze %dma_start3A_135 : memref<1x1x64xf32, #tpu.memory_space<vmem>> -> memref<1x64xf32, #tpu.memory_space<vmem>>
    %dma_start3A_137 = arith.constant 0 : i32
    %dma_start3A_138 = tpu.memref_slice %arg8[%dma_start3A_130, %dma_start3A_131, %dma_start3A_137] : memref<32x3x128xi32, #tpu.memory_space<vmem>> -> memref<1x1x1xi32, #tpu.memory_space<vmem>>
    %dma_start3A_139 = tpu.memref_squeeze %dma_start3A_138 : memref<1x1x1xi32, #tpu.memory_space<vmem>> -> memref<1xi32, #tpu.memory_space<vmem>>
    %dma_start3A_140 = arith.constant 0 : i32
    %dma_start3A_141 = arith.constant 0 : i32
    %dma_start3A_142 = tpu.memref_slice %arg4[%dma_start3A_140, %dma_start3A_141] : memref<1000000x64xf32, #tpu.memory_space<hbm>> -> memref<1000000x64xf32, #tpu.memory_space<hbm>>
    tpu.enqueue_indirect_dma source(%dma_start3A_142 : memref<1000000x64xf32, #tpu.memory_space<hbm>>) target(%dma_start3A_136 : memref<1x64xf32, #tpu.memory_space<vmem>>) offsets(%dma_start3A_139 : memref<1xi32, #tpu.memory_space<vmem>>) semaphore(%arg14 : memref<!tpu.dma_semaphore, #tpu.memory_space<semaphore_mem>>)
    %dma_start3A_143 = arith.constant 3 : i32
    %dma_start3A_144 = arith.constant 0 : i32
    %dma_start3A_145 = arith.constant 3 : i32
    %dma_start3A_146 = arith.constant 0 : i32
    %dma_start3A_147 = arith.constant 0 : i32
    %dma_start3A_148 = tpu.memref_slice %arg9[%dma_start3A_145, %dma_start3A_146, %dma_start3A_147] : memref<4x257x64xf32, #tpu.memory_space<vmem>> -> memref<1x128x64xf32, #tpu.memory_space<vmem>>
    %dma_start3A_149 = tpu.memref_squeeze %dma_start3A_148 : memref<1x128x64xf32, #tpu.memory_space<vmem>> -> memref<128x64xf32, #tpu.memory_space<vmem>>
    %dma_start3A_150 = arith.constant 0 : i32
    %dma_start3A_151 = tpu.memref_slice %arg8[%dma_start3A_143, %dma_start3A_144, %dma_start3A_150] : memref<32x3x128xi32, #tpu.memory_space<vmem>> -> memref<1x1x128xi32, #tpu.memory_space<vmem>>
    %dma_start3A_152 = tpu.memref_squeeze %dma_start3A_151 : memref<1x1x128xi32, #tpu.memory_space<vmem>> -> memref<128xi32, #tpu.memory_space<vmem>>
    %dma_start3A_153 = arith.constant 0 : i32
    %dma_start3A_154 = arith.constant 0 : i32
    %dma_start3A_155 = tpu.memref_slice %arg4[%dma_start3A_153, %dma_start3A_154] : memref<1000000x64xf32, #tpu.memory_space<hbm>> -> memref<1000000x64xf32, #tpu.memory_space<hbm>>
    tpu.enqueue_indirect_dma source(%dma_start3A_155 : memref<1000000x64xf32, #tpu.memory_space<hbm>>) target(%dma_start3A_149 : memref<128x64xf32, #tpu.memory_space<vmem>>) offsets(%dma_start3A_152 : memref<128xi32, #tpu.memory_space<vmem>>) semaphore(%arg15 : memref<!tpu.dma_semaphore, #tpu.memory_space<semaphore_mem>>)
    %dma_start3A_156 = arith.constant 3 : i32
    %dma_start3A_157 = arith.constant 1 : i32
    %dma_start3A_158 = arith.constant 3 : i32
    %dma_start3A_159 = arith.constant 128 : i32
    %dma_start3A_160 = arith.constant 0 : i32
    %dma_start3A_161 = tpu.memref_slice %arg9[%dma_start3A_158, %dma_start3A_159, %dma_start3A_160] : memref<4x257x64xf32, #tpu.memory_space<vmem>> -> memref<1x128x64xf32, #tpu.memory_space<vmem>>
    %dma_start3A_162 = tpu.memref_squeeze %dma_start3A_161 : memref<1x128x64xf32, #tpu.memory_space<vmem>> -> memref<128x64xf32, #tpu.memory_space<vmem>>
    %dma_start3A_163 = arith.constant 0 : i32
    %dma_start3A_164 = tpu.memref_slice %arg8[%dma_start3A_156, %dma_start3A_157, %dma_start3A_163] : memref<32x3x128xi32, #tpu.memory_space<vmem>> -> memref<1x1x128xi32, #tpu.memory_space<vmem>>
    %dma_start3A_165 = tpu.memref_squeeze %dma_start3A_164 : memref<1x1x128xi32, #tpu.memory_space<vmem>> -> memref<128xi32, #tpu.memory_space<vmem>>
    %dma_start3A_166 = arith.constant 0 : i32
    %dma_start3A_167 = arith.constant 0 : i32
    %dma_start3A_168 = tpu.memref_slice %arg4[%dma_start3A_166, %dma_start3A_167] : memref<1000000x64xf32, #tpu.memory_space<hbm>> -> memref<1000000x64xf32, #tpu.memory_space<hbm>>
    tpu.enqueue_indirect_dma source(%dma_start3A_168 : memref<1000000x64xf32, #tpu.memory_space<hbm>>) target(%dma_start3A_162 : memref<128x64xf32, #tpu.memory_space<vmem>>) offsets(%dma_start3A_165 : memref<128xi32, #tpu.memory_space<vmem>>) semaphore(%arg15 : memref<!tpu.dma_semaphore, #tpu.memory_space<semaphore_mem>>)
    %dma_start3A_169 = arith.constant 3 : i32
    %dma_start3A_170 = arith.constant 2 : i32
    %dma_start3A_171 = arith.constant 3 : i32
    %dma_start3A_172 = arith.constant 256 : i32
    %dma_start3A_173 = arith.constant 0 : i32
    %dma_start3A_174 = tpu.memref_slice %arg9[%dma_start3A_171, %dma_start3A_172, %dma_start3A_173] : memref<4x257x64xf32, #tpu.memory_space<vmem>> -> memref<1x1x64xf32, #tpu.memory_space<vmem>>
    %dma_start3A_175 = tpu.memref_squeeze %dma_start3A_174 : memref<1x1x64xf32, #tpu.memory_space<vmem>> -> memref<1x64xf32, #tpu.memory_space<vmem>>
    %dma_start3A_176 = arith.constant 0 : i32
    %dma_start3A_177 = tpu.memref_slice %arg8[%dma_start3A_169, %dma_start3A_170, %dma_start3A_176] : memref<32x3x128xi32, #tpu.memory_space<vmem>> -> memref<1x1x1xi32, #tpu.memory_space<vmem>>
    %dma_start3A_178 = tpu.memref_squeeze %dma_start3A_177 : memref<1x1x1xi32, #tpu.memory_space<vmem>> -> memref<1xi32, #tpu.memory_space<vmem>>
    %dma_start3A_179 = arith.constant 0 : i32
    %dma_start3A_180 = arith.constant 0 : i32
    %dma_start3A_181 = tpu.memref_slice %arg4[%dma_start3A_179, %dma_start3A_180] : memref<1000000x64xf32, #tpu.memory_space<hbm>> -> memref<1000000x64xf32, #tpu.memory_space<hbm>>
    tpu.enqueue_indirect_dma source(%dma_start3A_181 : memref<1000000x64xf32, #tpu.memory_space<hbm>>) target(%dma_start3A_175 : memref<1x64xf32, #tpu.memory_space<vmem>>) offsets(%dma_start3A_178 : memref<1xi32, #tpu.memory_space<vmem>>) semaphore(%arg15 : memref<!tpu.dma_semaphore, #tpu.memory_space<semaphore_mem>>)
    %scan3A = arith.constant 0 : i32
    %scan3A_182 = arith.constant 8 : i32
    %scan3A_183 = arith.addi %scan3A, %scan3A_182 : i32
    %scan3A_184 = arith.constant 1 : i32
    scf.for %scan3A_212 = %scan3A to %scan3A_183 step %scan3A_184  : i32 {
      %mul3A_213 = arith.constant 4 : i32
      %mul3A_214 = arith.muli %scan3A_212, %mul3A_213 : i32
      %add3A_215 = arith.constant 0 : i32
      %add3A_216 = arith.addi %add3A_215, %mul3A_214 : i32
      %add3A_217 = arith.constant 0 : i32
      %add3A_218 = arith.addi %add3A_216, %add3A_217 : i32
      %dma_wait3A_219 = arith.constant 0 : i32
      %dma_wait3A_220 = arith.constant 0 : i32
      %dma_wait3A_221 = arith.constant 0 : i32
      %dma_wait3A_222 = arith.constant 0 : i32
      %dma_wait3A_223 = tpu.memref_slice %arg9[%dma_wait3A_220, %dma_wait3A_221, %dma_wait3A_222] : memref<4x257x64xf32, #tpu.memory_space<vmem>> -> memref<1x128x64xf32, #tpu.memory_space<vmem>>
      %dma_wait3A_224 = tpu.memref_squeeze %dma_wait3A_223 : memref<1x128x64xf32, #tpu.memory_space<vmem>> -> memref<128x64xf32, #tpu.memory_space<vmem>>
      %dma_wait3A_225 = arith.constant 0 : i32
      %dma_wait3A_226 = tpu.memref_slice %arg8[%add3A_218, %dma_wait3A_219, %dma_wait3A_225] : memref<32x3x128xi32, #tpu.memory_space<vmem>> -> memref<1x1x128xi32, #tpu.memory_space<vmem>>
      %dma_wait3A_227 = tpu.memref_squeeze %dma_wait3A_226 : memref<1x1x128xi32, #tpu.memory_space<vmem>> -> memref<128xi32, #tpu.memory_space<vmem>>
      %dma_wait3A_228 = arith.constant 0 : i32
      %dma_wait3A_229 = arith.constant 0 : i32
      %dma_wait3A_230 = tpu.memref_slice %arg4[%dma_wait3A_228, %dma_wait3A_229] : memref<1000000x64xf32, #tpu.memory_space<hbm>> -> memref<1000000x64xf32, #tpu.memory_space<hbm>>
      tpu.wait_indirect_dma semaphore(%arg12 : memref<!tpu.dma_semaphore, #tpu.memory_space<semaphore_mem>>) src(%dma_wait3A_230 : memref<1000000x64xf32, #tpu.memory_space<hbm>>) dst(%dma_wait3A_224 : memref<128x64xf32, #tpu.memory_space<vmem>>)
      %dma_wait3A_231 = arith.constant 1 : i32
      %dma_wait3A_232 = arith.constant 0 : i32
      %dma_wait3A_233 = arith.constant 128 : i32
      %dma_wait3A_234 = arith.constant 0 : i32
      %dma_wait3A_235 = tpu.memref_slice %arg9[%dma_wait3A_232, %dma_wait3A_233, %dma_wait3A_234] : memref<4x257x64xf32, #tpu.memory_space<vmem>> -> memref<1x128x64xf32, #tpu.memory_space<vmem>>
      %dma_wait3A_236 = tpu.memref_squeeze %dma_wait3A_235 : memref<1x128x64xf32, #tpu.memory_space<vmem>> -> memref<128x64xf32, #tpu.memory_space<vmem>>
      %dma_wait3A_237 = arith.constant 0 : i32
      %dma_wait3A_238 = tpu.memref_slice %arg8[%add3A_218, %dma_wait3A_231, %dma_wait3A_237] : memref<32x3x128xi32, #tpu.memory_space<vmem>> -> memref<1x1x128xi32, #tpu.memory_space<vmem>>
      %dma_wait3A_239 = tpu.memref_squeeze %dma_wait3A_238 : memref<1x1x128xi32, #tpu.memory_space<vmem>> -> memref<128xi32, #tpu.memory_space<vmem>>
      %dma_wait3A_240 = arith.constant 0 : i32
      %dma_wait3A_241 = arith.constant 0 : i32
      %dma_wait3A_242 = tpu.memref_slice %arg4[%dma_wait3A_240, %dma_wait3A_241] : memref<1000000x64xf32, #tpu.memory_space<hbm>> -> memref<1000000x64xf32, #tpu.memory_space<hbm>>
      tpu.wait_indirect_dma semaphore(%arg12 : memref<!tpu.dma_semaphore, #tpu.memory_space<semaphore_mem>>) src(%dma_wait3A_242 : memref<1000000x64xf32, #tpu.memory_space<hbm>>) dst(%dma_wait3A_236 : memref<128x64xf32, #tpu.memory_space<vmem>>)
      %dma_wait3A_243 = arith.constant 2 : i32
      %dma_wait3A_244 = arith.constant 0 : i32
      %dma_wait3A_245 = arith.constant 256 : i32
      %dma_wait3A_246 = arith.constant 0 : i32
      %dma_wait3A_247 = tpu.memref_slice %arg9[%dma_wait3A_244, %dma_wait3A_245, %dma_wait3A_246] : memref<4x257x64xf32, #tpu.memory_space<vmem>> -> memref<1x1x64xf32, #tpu.memory_space<vmem>>
      %dma_wait3A_248 = tpu.memref_squeeze %dma_wait3A_247 : memref<1x1x64xf32, #tpu.memory_space<vmem>> -> memref<1x64xf32, #tpu.memory_space<vmem>>
      %dma_wait3A_249 = arith.constant 0 : i32
      %dma_wait3A_250 = tpu.memref_slice %arg8[%add3A_218, %dma_wait3A_243, %dma_wait3A_249] : memref<32x3x128xi32, #tpu.memory_space<vmem>> -> memref<1x1x1xi32, #tpu.memory_space<vmem>>
      %dma_wait3A_251 = tpu.memref_squeeze %dma_wait3A_250 : memref<1x1x1xi32, #tpu.memory_space<vmem>> -> memref<1xi32, #tpu.memory_space<vmem>>
      %dma_wait3A_252 = arith.constant 0 : i32
      %dma_wait3A_253 = arith.constant 0 : i32
      %dma_wait3A_254 = tpu.memref_slice %arg4[%dma_wait3A_252, %dma_wait3A_253] : memref<1000000x64xf32, #tpu.memory_space<hbm>> -> memref<1000000x64xf32, #tpu.memory_space<hbm>>
      tpu.wait_indirect_dma semaphore(%arg12 : memref<!tpu.dma_semaphore, #tpu.memory_space<semaphore_mem>>) src(%dma_wait3A_254 : memref<1000000x64xf32, #tpu.memory_space<hbm>>) dst(%dma_wait3A_248 : memref<1x64xf32, #tpu.memory_space<vmem>>)
      %add3A_255 = arith.addi %mul3A_2, %add3A_218 : i32
      %dma_start3A_256 = arith.constant 0 : i32
      %dma_start3A_257 = arith.constant 0 : i32
      %dma_start3A_258 = arith.constant 0 : i32
      %dma_start3A_259 = tpu.memref_slice %arg9[%dma_start3A_256, %dma_start3A_257, %dma_start3A_258] : memref<4x257x64xf32, #tpu.memory_space<vmem>> -> memref<1x257x64xf32, #tpu.memory_space<vmem>>
      %dma_start3A_260 = tpu.memref_squeeze %dma_start3A_259 : memref<1x257x64xf32, #tpu.memory_space<vmem>> -> memref<257x64xf32, #tpu.memory_space<vmem>>
      %dma_start3A_261 = arith.constant 0 : i32
      %dma_start3A_262 = arith.constant 0 : i32
      %dma_start3A_263 = tpu.memref_slice %arg6[%add3A_255, %dma_start3A_261, %dma_start3A_262] : memref<1024x257x64xf32, #tpu.memory_space<hbm>> -> memref<1x257x64xf32, #tpu.memory_space<hbm>>
      %dma_start3A_264 = tpu.memref_squeeze %dma_start3A_263 : memref<1x257x64xf32, #tpu.memory_space<hbm>> -> memref<257x64xf32, #tpu.memory_space<hbm>>
      %dma_start3A_265 = arith.constant 0 : i32
      %dma_start3A_266 = arith.constant 0 : i32
      %dma_start3A_267 = tpu.memref_slice %arg6[%add3A_255, %dma_start3A_265, %dma_start3A_266] : memref<1024x257x64xf32, #tpu.memory_space<hbm>> -> memref<1x257x64xf32, #tpu.memory_space<hbm>>
      %dma_start3A_268 = tpu.memref_squeeze %dma_start3A_267 : memref<1x257x64xf32, #tpu.memory_space<hbm>> -> memref<257x64xf32, #tpu.memory_space<hbm>>
      %dma_start3A_269 = arith.constant 0 : i32
      %dma_start3A_270 = arith.constant 0 : i32
      %dma_start3A_271 = tpu.memref_slice %arg9[%dma_start3A_256, %dma_start3A_269, %dma_start3A_270] : memref<4x257x64xf32, #tpu.memory_space<vmem>> -> memref<1x257x64xf32, #tpu.memory_space<vmem>>
      %dma_start3A_272 = tpu.memref_squeeze %dma_start3A_271 : memref<1x257x64xf32, #tpu.memory_space<vmem>> -> memref<257x64xf32, #tpu.memory_space<vmem>>
      tpu.enqueue_dma source(%dma_start3A_272 : memref<257x64xf32, #tpu.memory_space<vmem>>) target(%dma_start3A_268 : memref<257x64xf32, #tpu.memory_space<hbm>>) target_semaphore(%arg16 : memref<!tpu.dma_semaphore, #tpu.memory_space<semaphore_mem>>)
      %add3A_273 = arith.addi %mul3A_2, %add3A_218 : i32
      %dma_wait3A_274 = arith.constant 0 : i32
      %dma_wait3A_275 = arith.constant 0 : i32
      %dma_wait3A_276 = arith.constant 0 : i32
      %dma_wait3A_277 = tpu.memref_slice %arg9[%dma_wait3A_274, %dma_wait3A_275, %dma_wait3A_276] : memref<4x257x64xf32, #tpu.memory_space<vmem>> -> memref<1x257x64xf32, #tpu.memory_space<vmem>>
      %dma_wait3A_278 = tpu.memref_squeeze %dma_wait3A_277 : memref<1x257x64xf32, #tpu.memory_space<vmem>> -> memref<257x64xf32, #tpu.memory_space<vmem>>
      %dma_wait3A_279 = arith.constant 0 : i32
      %dma_wait3A_280 = arith.constant 0 : i32
      %dma_wait3A_281 = tpu.memref_slice %arg6[%add3A_273, %dma_wait3A_279, %dma_wait3A_280] : memref<1024x257x64xf32, #tpu.memory_space<hbm>> -> memref<1x257x64xf32, #tpu.memory_space<hbm>>
      %dma_wait3A_282 = tpu.memref_squeeze %dma_wait3A_281 : memref<1x257x64xf32, #tpu.memory_space<hbm>> -> memref<257x64xf32, #tpu.memory_space<hbm>>
      %dma_wait3A_283 = arith.constant 0 : i32
      %dma_wait3A_284 = arith.constant 0 : i32
      %dma_wait3A_285 = tpu.memref_slice %arg6[%add3A_273, %dma_wait3A_283, %dma_wait3A_284] : memref<1024x257x64xf32, #tpu.memory_space<hbm>> -> memref<1x257x64xf32, #tpu.memory_space<hbm>>
      %dma_wait3A_286 = tpu.memref_squeeze %dma_wait3A_285 : memref<1x257x64xf32, #tpu.memory_space<hbm>> -> memref<257x64xf32, #tpu.memory_space<hbm>>
      %dma_wait3A_287 = arith.constant 0 : i32
      %dma_wait3A_288 = arith.constant 0 : i32
      %dma_wait3A_289 = tpu.memref_slice %arg9[%dma_wait3A_274, %dma_wait3A_287, %dma_wait3A_288] : memref<4x257x64xf32, #tpu.memory_space<vmem>> -> memref<1x257x64xf32, #tpu.memory_space<vmem>>
      %dma_wait3A_290 = tpu.memref_squeeze %dma_wait3A_289 : memref<1x257x64xf32, #tpu.memory_space<vmem>> -> memref<257x64xf32, #tpu.memory_space<vmem>>
      tpu.wait_dma2 semaphore(%arg16 : memref<!tpu.dma_semaphore, #tpu.memory_space<semaphore_mem>>) src(%dma_wait3A_290 : memref<257x64xf32, #tpu.memory_space<vmem>>) dst(%dma_wait3A_286 : memref<257x64xf32, #tpu.memory_space<hbm>>)
      %add3A_291 = arith.constant 4 : i32
      %add3A_292 = arith.addi %add3A_218, %add3A_291 : i32
      %lt3A = arith.constant 32 : i32
      %lt3A_293 = arith.cmpi slt, %add3A_292, %lt3A : i32
      %convert_element_type3A = arith.extui %lt3A_293 : i1 to i32
      %cond3A = arith.constant 0 : i32
      %cond3A_294 = arith.cmpi ne, %convert_element_type3A, %cond3A : i32
      scf.if %cond3A_294 {
        %add3A_538 = arith.constant 4 : i32
        %add3A_539 = arith.addi %add3A_218, %add3A_538 : i32
        %dma_start3A_540 = arith.constant 0 : i32
        %dma_start3A_541 = arith.constant 0 : i32
        %dma_start3A_542 = arith.constant 0 : i32
        %dma_start3A_543 = arith.constant 0 : i32
        %dma_start3A_544 = tpu.memref_slice %arg9[%dma_start3A_541, %dma_start3A_542, %dma_start3A_543] : memref<4x257x64xf32, #tpu.memory_space<vmem>> -> memref<1x128x64xf32, #tpu.memory_space<vmem>>
        %dma_start3A_545 = tpu.memref_squeeze %dma_start3A_544 : memref<1x128x64xf32, #tpu.memory_space<vmem>> -> memref<128x64xf32, #tpu.memory_space<vmem>>
        %dma_start3A_546 = arith.constant 0 : i32
        %dma_start3A_547 = tpu.memref_slice %arg8[%add3A_539, %dma_start3A_540, %dma_start3A_546] : memref<32x3x128xi32, #tpu.memory_space<vmem>> -> memref<1x1x128xi32, #tpu.memory_space<vmem>>
        %dma_start3A_548 = tpu.memref_squeeze %dma_start3A_547 : memref<1x1x128xi32, #tpu.memory_space<vmem>> -> memref<128xi32, #tpu.memory_space<vmem>>
        %dma_start3A_549 = arith.constant 0 : i32
        %dma_start3A_550 = arith.constant 0 : i32
        %dma_start3A_551 = tpu.memref_slice %arg4[%dma_start3A_549, %dma_start3A_550] : memref<1000000x64xf32, #tpu.memory_space<hbm>> -> memref<1000000x64xf32, #tpu.memory_space<hbm>>
        tpu.enqueue_indirect_dma source(%dma_start3A_551 : memref<1000000x64xf32, #tpu.memory_space<hbm>>) target(%dma_start3A_545 : memref<128x64xf32, #tpu.memory_space<vmem>>) offsets(%dma_start3A_548 : memref<128xi32, #tpu.memory_space<vmem>>) semaphore(%arg12 : memref<!tpu.dma_semaphore, #tpu.memory_space<semaphore_mem>>)
        %dma_start3A_552 = arith.constant 1 : i32
        %dma_start3A_553 = arith.constant 0 : i32
        %dma_start3A_554 = arith.constant 128 : i32
        %dma_start3A_555 = arith.constant 0 : i32
        %dma_start3A_556 = tpu.memref_slice %arg9[%dma_start3A_553, %dma_start3A_554, %dma_start3A_555] : memref<4x257x64xf32, #tpu.memory_space<vmem>> -> memref<1x128x64xf32, #tpu.memory_space<vmem>>
        %dma_start3A_557 = tpu.memref_squeeze %dma_start3A_556 : memref<1x128x64xf32, #tpu.memory_space<vmem>> -> memref<128x64xf32, #tpu.memory_space<vmem>>
        %dma_start3A_558 = arith.constant 0 : i32
        %dma_start3A_559 = tpu.memref_slice %arg8[%add3A_539, %dma_start3A_552, %dma_start3A_558] : memref<32x3x128xi32, #tpu.memory_space<vmem>> -> memref<1x1x128xi32, #tpu.memory_space<vmem>>
        %dma_start3A_560 = tpu.memref_squeeze %dma_start3A_559 : memref<1x1x128xi32, #tpu.memory_space<vmem>> -> memref<128xi32, #tpu.memory_space<vmem>>
        %dma_start3A_561 = arith.constant 0 : i32
        %dma_start3A_562 = arith.constant 0 : i32
        %dma_start3A_563 = tpu.memref_slice %arg4[%dma_start3A_561, %dma_start3A_562] : memref<1000000x64xf32, #tpu.memory_space<hbm>> -> memref<1000000x64xf32, #tpu.memory_space<hbm>>
        tpu.enqueue_indirect_dma source(%dma_start3A_563 : memref<1000000x64xf32, #tpu.memory_space<hbm>>) target(%dma_start3A_557 : memref<128x64xf32, #tpu.memory_space<vmem>>) offsets(%dma_start3A_560 : memref<128xi32, #tpu.memory_space<vmem>>) semaphore(%arg12 : memref<!tpu.dma_semaphore, #tpu.memory_space<semaphore_mem>>)
        %dma_start3A_564 = arith.constant 2 : i32
        %dma_start3A_565 = arith.constant 0 : i32
        %dma_start3A_566 = arith.constant 256 : i32
        %dma_start3A_567 = arith.constant 0 : i32
        %dma_start3A_568 = tpu.memref_slice %arg9[%dma_start3A_565, %dma_start3A_566, %dma_start3A_567] : memref<4x257x64xf32, #tpu.memory_space<vmem>> -> memref<1x1x64xf32, #tpu.memory_space<vmem>>
        %dma_start3A_569 = tpu.memref_squeeze %dma_start3A_568 : memref<1x1x64xf32, #tpu.memory_space<vmem>> -> memref<1x64xf32, #tpu.memory_space<vmem>>
        %dma_start3A_570 = arith.constant 0 : i32
        %dma_start3A_571 = tpu.memref_slice %arg8[%add3A_539, %dma_start3A_564, %dma_start3A_570] : memref<32x3x128xi32, #tpu.memory_space<vmem>> -> memref<1x1x1xi32, #tpu.memory_space<vmem>>
        %dma_start3A_572 = tpu.memref_squeeze %dma_start3A_571 : memref<1x1x1xi32, #tpu.memory_space<vmem>> -> memref<1xi32, #tpu.memory_space<vmem>>
        %dma_start3A_573 = arith.constant 0 : i32
        %dma_start3A_574 = arith.constant 0 : i32
        %dma_start3A_575 = tpu.memref_slice %arg4[%dma_start3A_573, %dma_start3A_574] : memref<1000000x64xf32, #tpu.memory_space<hbm>> -> memref<1000000x64xf32, #tpu.memory_space<hbm>>
        tpu.enqueue_indirect_dma source(%dma_start3A_575 : memref<1000000x64xf32, #tpu.memory_space<hbm>>) target(%dma_start3A_569 : memref<1x64xf32, #tpu.memory_space<vmem>>) offsets(%dma_start3A_572 : memref<1xi32, #tpu.memory_space<vmem>>) semaphore(%arg12 : memref<!tpu.dma_semaphore, #tpu.memory_space<semaphore_mem>>)
      } else {
      }
      %add3A_295 = arith.constant 1 : i32
      %add3A_296 = arith.addi %add3A_216, %add3A_295 : i32
      %dma_wait3A_297 = arith.constant 0 : i32
      %dma_wait3A_298 = arith.constant 1 : i32
      %dma_wait3A_299 = arith.constant 0 : i32
      %dma_wait3A_300 = arith.constant 0 : i32
      %dma_wait3A_301 = tpu.memref_slice %arg9[%dma_wait3A_298, %dma_wait3A_299, %dma_wait3A_300] : memref<4x257x64xf32, #tpu.memory_space<vmem>> -> memref<1x128x64xf32, #tpu.memory_space<vmem>>
      %dma_wait3A_302 = tpu.memref_squeeze %dma_wait3A_301 : memref<1x128x64xf32, #tpu.memory_space<vmem>> -> memref<128x64xf32, #tpu.memory_space<vmem>>
      %dma_wait3A_303 = arith.constant 0 : i32
      %dma_wait3A_304 = tpu.memref_slice %arg8[%add3A_296, %dma_wait3A_297, %dma_wait3A_303] : memref<32x3x128xi32, #tpu.memory_space<vmem>> -> memref<1x1x128xi32, #tpu.memory_space<vmem>>
      %dma_wait3A_305 = tpu.memref_squeeze %dma_wait3A_304 : memref<1x1x128xi32, #tpu.memory_space<vmem>> -> memref<128xi32, #tpu.memory_space<vmem>>
      %dma_wait3A_306 = arith.constant 0 : i32
      %dma_wait3A_307 = arith.constant 0 : i32
      %dma_wait3A_308 = tpu.memref_slice %arg4[%dma_wait3A_306, %dma_wait3A_307] : memref<1000000x64xf32, #tpu.memory_space<hbm>> -> memref<1000000x64xf32, #tpu.memory_space<hbm>>
      tpu.wait_indirect_dma semaphore(%arg13 : memref<!tpu.dma_semaphore, #tpu.memory_space<semaphore_mem>>) src(%dma_wait3A_308 : memref<1000000x64xf32, #tpu.memory_space<hbm>>) dst(%dma_wait3A_302 : memref<128x64xf32, #tpu.memory_space<vmem>>)
      %dma_wait3A_309 = arith.constant 1 : i32
      %dma_wait3A_310 = arith.constant 1 : i32
      %dma_wait3A_311 = arith.constant 128 : i32
      %dma_wait3A_312 = arith.constant 0 : i32
      %dma_wait3A_313 = tpu.memref_slice %arg9[%dma_wait3A_310, %dma_wait3A_311, %dma_wait3A_312] : memref<4x257x64xf32, #tpu.memory_space<vmem>> -> memref<1x128x64xf32, #tpu.memory_space<vmem>>
      %dma_wait3A_314 = tpu.memref_squeeze %dma_wait3A_313 : memref<1x128x64xf32, #tpu.memory_space<vmem>> -> memref<128x64xf32, #tpu.memory_space<vmem>>
      %dma_wait3A_315 = arith.constant 0 : i32
      %dma_wait3A_316 = tpu.memref_slice %arg8[%add3A_296, %dma_wait3A_309, %dma_wait3A_315] : memref<32x3x128xi32, #tpu.memory_space<vmem>> -> memref<1x1x128xi32, #tpu.memory_space<vmem>>
      %dma_wait3A_317 = tpu.memref_squeeze %dma_wait3A_316 : memref<1x1x128xi32, #tpu.memory_space<vmem>> -> memref<128xi32, #tpu.memory_space<vmem>>
      %dma_wait3A_318 = arith.constant 0 : i32
      %dma_wait3A_319 = arith.constant 0 : i32
      %dma_wait3A_320 = tpu.memref_slice %arg4[%dma_wait3A_318, %dma_wait3A_319] : memref<1000000x64xf32, #tpu.memory_space<hbm>> -> memref<1000000x64xf32, #tpu.memory_space<hbm>>
      tpu.wait_indirect_dma semaphore(%arg13 : memref<!tpu.dma_semaphore, #tpu.memory_space<semaphore_mem>>) src(%dma_wait3A_320 : memref<1000000x64xf32, #tpu.memory_space<hbm>>) dst(%dma_wait3A_314 : memref<128x64xf32, #tpu.memory_space<vmem>>)
      %dma_wait3A_321 = arith.constant 2 : i32
      %dma_wait3A_322 = arith.constant 1 : i32
      %dma_wait3A_323 = arith.constant 256 : i32
      %dma_wait3A_324 = arith.constant 0 : i32
      %dma_wait3A_325 = tpu.memref_slice %arg9[%dma_wait3A_322, %dma_wait3A_323, %dma_wait3A_324] : memref<4x257x64xf32, #tpu.memory_space<vmem>> -> memref<1x1x64xf32, #tpu.memory_space<vmem>>
      %dma_wait3A_326 = tpu.memref_squeeze %dma_wait3A_325 : memref<1x1x64xf32, #tpu.memory_space<vmem>> -> memref<1x64xf32, #tpu.memory_space<vmem>>
      %dma_wait3A_327 = arith.constant 0 : i32
      %dma_wait3A_328 = tpu.memref_slice %arg8[%add3A_296, %dma_wait3A_321, %dma_wait3A_327] : memref<32x3x128xi32, #tpu.memory_space<vmem>> -> memref<1x1x1xi32, #tpu.memory_space<vmem>>
      %dma_wait3A_329 = tpu.memref_squeeze %dma_wait3A_328 : memref<1x1x1xi32, #tpu.memory_space<vmem>> -> memref<1xi32, #tpu.memory_space<vmem>>
      %dma_wait3A_330 = arith.constant 0 : i32
      %dma_wait3A_331 = arith.constant 0 : i32
      %dma_wait3A_332 = tpu.memref_slice %arg4[%dma_wait3A_330, %dma_wait3A_331] : memref<1000000x64xf32, #tpu.memory_space<hbm>> -> memref<1000000x64xf32, #tpu.memory_space<hbm>>
      tpu.wait_indirect_dma semaphore(%arg13 : memref<!tpu.dma_semaphore, #tpu.memory_space<semaphore_mem>>) src(%dma_wait3A_332 : memref<1000000x64xf32, #tpu.memory_space<hbm>>) dst(%dma_wait3A_326 : memref<1x64xf32, #tpu.memory_space<vmem>>)
      %add3A_333 = arith.addi %mul3A_2, %add3A_296 : i32
      %dma_start3A_334 = arith.constant 1 : i32
      %dma_start3A_335 = arith.constant 0 : i32
      %dma_start3A_336 = arith.constant 0 : i32
      %dma_start3A_337 = tpu.memref_slice %arg9[%dma_start3A_334, %dma_start3A_335, %dma_start3A_336] : memref<4x257x64xf32, #tpu.memory_space<vmem>> -> memref<1x257x64xf32, #tpu.memory_space<vmem>>
      %dma_start3A_338 = tpu.memref_squeeze %dma_start3A_337 : memref<1x257x64xf32, #tpu.memory_space<vmem>> -> memref<257x64xf32, #tpu.memory_space<vmem>>
      %dma_start3A_339 = arith.constant 0 : i32
      %dma_start3A_340 = arith.constant 0 : i32
      %dma_start3A_341 = tpu.memref_slice %arg6[%add3A_333, %dma_start3A_339, %dma_start3A_340] : memref<1024x257x64xf32, #tpu.memory_space<hbm>> -> memref<1x257x64xf32, #tpu.memory_space<hbm>>
      %dma_start3A_342 = tpu.memref_squeeze %dma_start3A_341 : memref<1x257x64xf32, #tpu.memory_space<hbm>> -> memref<257x64xf32, #tpu.memory_space<hbm>>
      %dma_start3A_343 = arith.constant 0 : i32
      %dma_start3A_344 = arith.constant 0 : i32
      %dma_start3A_345 = tpu.memref_slice %arg6[%add3A_333, %dma_start3A_343, %dma_start3A_344] : memref<1024x257x64xf32, #tpu.memory_space<hbm>> -> memref<1x257x64xf32, #tpu.memory_space<hbm>>
      %dma_start3A_346 = tpu.memref_squeeze %dma_start3A_345 : memref<1x257x64xf32, #tpu.memory_space<hbm>> -> memref<257x64xf32, #tpu.memory_space<hbm>>
      %dma_start3A_347 = arith.constant 0 : i32
      %dma_start3A_348 = arith.constant 0 : i32
      %dma_start3A_349 = tpu.memref_slice %arg9[%dma_start3A_334, %dma_start3A_347, %dma_start3A_348] : memref<4x257x64xf32, #tpu.memory_space<vmem>> -> memref<1x257x64xf32, #tpu.memory_space<vmem>>
      %dma_start3A_350 = tpu.memref_squeeze %dma_start3A_349 : memref<1x257x64xf32, #tpu.memory_space<vmem>> -> memref<257x64xf32, #tpu.memory_space<vmem>>
      tpu.enqueue_dma source(%dma_start3A_350 : memref<257x64xf32, #tpu.memory_space<vmem>>) target(%dma_start3A_346 : memref<257x64xf32, #tpu.memory_space<hbm>>) target_semaphore(%arg17 : memref<!tpu.dma_semaphore, #tpu.memory_space<semaphore_mem>>)
      %add3A_351 = arith.addi %mul3A_2, %add3A_296 : i32
      %dma_wait3A_352 = arith.constant 1 : i32
      %dma_wait3A_353 = arith.constant 0 : i32
      %dma_wait3A_354 = arith.constant 0 : i32
      %dma_wait3A_355 = tpu.memref_slice %arg9[%dma_wait3A_352, %dma_wait3A_353, %dma_wait3A_354] : memref<4x257x64xf32, #tpu.memory_space<vmem>> -> memref<1x257x64xf32, #tpu.memory_space<vmem>>
      %dma_wait3A_356 = tpu.memref_squeeze %dma_wait3A_355 : memref<1x257x64xf32, #tpu.memory_space<vmem>> -> memref<257x64xf32, #tpu.memory_space<vmem>>
      %dma_wait3A_357 = arith.constant 0 : i32
      %dma_wait3A_358 = arith.constant 0 : i32
      %dma_wait3A_359 = tpu.memref_slice %arg6[%add3A_351, %dma_wait3A_357, %dma_wait3A_358] : memref<1024x257x64xf32, #tpu.memory_space<hbm>> -> memref<1x257x64xf32, #tpu.memory_space<hbm>>
      %dma_wait3A_360 = tpu.memref_squeeze %dma_wait3A_359 : memref<1x257x64xf32, #tpu.memory_space<hbm>> -> memref<257x64xf32, #tpu.memory_space<hbm>>
      %dma_wait3A_361 = arith.constant 0 : i32
      %dma_wait3A_362 = arith.constant 0 : i32
      %dma_wait3A_363 = tpu.memref_slice %arg6[%add3A_351, %dma_wait3A_361, %dma_wait3A_362] : memref<1024x257x64xf32, #tpu.memory_space<hbm>> -> memref<1x257x64xf32, #tpu.memory_space<hbm>>
      %dma_wait3A_364 = tpu.memref_squeeze %dma_wait3A_363 : memref<1x257x64xf32, #tpu.memory_space<hbm>> -> memref<257x64xf32, #tpu.memory_space<hbm>>
      %dma_wait3A_365 = arith.constant 0 : i32
      %dma_wait3A_366 = arith.constant 0 : i32
      %dma_wait3A_367 = tpu.memref_slice %arg9[%dma_wait3A_352, %dma_wait3A_365, %dma_wait3A_366] : memref<4x257x64xf32, #tpu.memory_space<vmem>> -> memref<1x257x64xf32, #tpu.memory_space<vmem>>
      %dma_wait3A_368 = tpu.memref_squeeze %dma_wait3A_367 : memref<1x257x64xf32, #tpu.memory_space<vmem>> -> memref<257x64xf32, #tpu.memory_space<vmem>>
      tpu.wait_dma2 semaphore(%arg17 : memref<!tpu.dma_semaphore, #tpu.memory_space<semaphore_mem>>) src(%dma_wait3A_368 : memref<257x64xf32, #tpu.memory_space<vmem>>) dst(%dma_wait3A_364 : memref<257x64xf32, #tpu.memory_space<hbm>>)
      %add3A_369 = arith.constant 4 : i32
      %add3A_370 = arith.addi %add3A_296, %add3A_369 : i32
      %lt3A_371 = arith.constant 32 : i32
      %lt3A_372 = arith.cmpi slt, %add3A_370, %lt3A_371 : i32
      %convert_element_type3A_373 = arith.extui %lt3A_372 : i1 to i32
      %cond3A_374 = arith.constant 0 : i32
      %cond3A_375 = arith.cmpi ne, %convert_element_type3A_373, %cond3A_374 : i32
      scf.if %cond3A_375 {
        %add3A_538 = arith.constant 4 : i32
        %add3A_539 = arith.addi %add3A_296, %add3A_538 : i32
        %dma_start3A_540 = arith.constant 0 : i32
        %dma_start3A_541 = arith.constant 1 : i32
        %dma_start3A_542 = arith.constant 0 : i32
        %dma_start3A_543 = arith.constant 0 : i32
        %dma_start3A_544 = tpu.memref_slice %arg9[%dma_start3A_541, %dma_start3A_542, %dma_start3A_543] : memref<4x257x64xf32, #tpu.memory_space<vmem>> -> memref<1x128x64xf32, #tpu.memory_space<vmem>>
        %dma_start3A_545 = tpu.memref_squeeze %dma_start3A_544 : memref<1x128x64xf32, #tpu.memory_space<vmem>> -> memref<128x64xf32, #tpu.memory_space<vmem>>
        %dma_start3A_546 = arith.constant 0 : i32
        %dma_start3A_547 = tpu.memref_slice %arg8[%add3A_539, %dma_start3A_540, %dma_start3A_546] : memref<32x3x128xi32, #tpu.memory_space<vmem>> -> memref<1x1x128xi32, #tpu.memory_space<vmem>>
        %dma_start3A_548 = tpu.memref_squeeze %dma_start3A_547 : memref<1x1x128xi32, #tpu.memory_space<vmem>> -> memref<128xi32, #tpu.memory_space<vmem>>
        %dma_start3A_549 = arith.constant 0 : i32
        %dma_start3A_550 = arith.constant 0 : i32
        %dma_start3A_551 = tpu.memref_slice %arg4[%dma_start3A_549, %dma_start3A_550] : memref<1000000x64xf32, #tpu.memory_space<hbm>> -> memref<1000000x64xf32, #tpu.memory_space<hbm>>
        tpu.enqueue_indirect_dma source(%dma_start3A_551 : memref<1000000x64xf32, #tpu.memory_space<hbm>>) target(%dma_start3A_545 : memref<128x64xf32, #tpu.memory_space<vmem>>) offsets(%dma_start3A_548 : memref<128xi32, #tpu.memory_space<vmem>>) semaphore(%arg13 : memref<!tpu.dma_semaphore, #tpu.memory_space<semaphore_mem>>)
        %dma_start3A_552 = arith.constant 1 : i32
        %dma_start3A_553 = arith.constant 1 : i32
        %dma_start3A_554 = arith.constant 128 : i32
        %dma_start3A_555 = arith.constant 0 : i32
        %dma_start3A_556 = tpu.memref_slice %arg9[%dma_start3A_553, %dma_start3A_554, %dma_start3A_555] : memref<4x257x64xf32, #tpu.memory_space<vmem>> -> memref<1x128x64xf32, #tpu.memory_space<vmem>>
        %dma_start3A_557 = tpu.memref_squeeze %dma_start3A_556 : memref<1x128x64xf32, #tpu.memory_space<vmem>> -> memref<128x64xf32, #tpu.memory_space<vmem>>
        %dma_start3A_558 = arith.constant 0 : i32
        %dma_start3A_559 = tpu.memref_slice %arg8[%add3A_539, %dma_start3A_552, %dma_start3A_558] : memref<32x3x128xi32, #tpu.memory_space<vmem>> -> memref<1x1x128xi32, #tpu.memory_space<vmem>>
        %dma_start3A_560 = tpu.memref_squeeze %dma_start3A_559 : memref<1x1x128xi32, #tpu.memory_space<vmem>> -> memref<128xi32, #tpu.memory_space<vmem>>
        %dma_start3A_561 = arith.constant 0 : i32
        %dma_start3A_562 = arith.constant 0 : i32
        %dma_start3A_563 = tpu.memref_slice %arg4[%dma_start3A_561, %dma_start3A_562] : memref<1000000x64xf32, #tpu.memory_space<hbm>> -> memref<1000000x64xf32, #tpu.memory_space<hbm>>
        tpu.enqueue_indirect_dma source(%dma_start3A_563 : memref<1000000x64xf32, #tpu.memory_space<hbm>>) target(%dma_start3A_557 : memref<128x64xf32, #tpu.memory_space<vmem>>) offsets(%dma_start3A_560 : memref<128xi32, #tpu.memory_space<vmem>>) semaphore(%arg13 : memref<!tpu.dma_semaphore, #tpu.memory_space<semaphore_mem>>)
        %dma_start3A_564 = arith.constant 2 : i32
        %dma_start3A_565 = arith.constant 1 : i32
        %dma_start3A_566 = arith.constant 256 : i32
        %dma_start3A_567 = arith.constant 0 : i32
        %dma_start3A_568 = tpu.memref_slice %arg9[%dma_start3A_565, %dma_start3A_566, %dma_start3A_567] : memref<4x257x64xf32, #tpu.memory_space<vmem>> -> memref<1x1x64xf32, #tpu.memory_space<vmem>>
        %dma_start3A_569 = tpu.memref_squeeze %dma_start3A_568 : memref<1x1x64xf32, #tpu.memory_space<vmem>> -> memref<1x64xf32, #tpu.memory_space<vmem>>
        %dma_start3A_570 = arith.constant 0 : i32
        %dma_start3A_571 = tpu.memref_slice %arg8[%add3A_539, %dma_start3A_564, %dma_start3A_570] : memref<32x3x128xi32, #tpu.memory_space<vmem>> -> memref<1x1x1xi32, #tpu.memory_space<vmem>>
        %dma_start3A_572 = tpu.memref_squeeze %dma_start3A_571 : memref<1x1x1xi32, #tpu.memory_space<vmem>> -> memref<1xi32, #tpu.memory_space<vmem>>
        %dma_start3A_573 = arith.constant 0 : i32
        %dma_start3A_574 = arith.constant 0 : i32
        %dma_start3A_575 = tpu.memref_slice %arg4[%dma_start3A_573, %dma_start3A_574] : memref<1000000x64xf32, #tpu.memory_space<hbm>> -> memref<1000000x64xf32, #tpu.memory_space<hbm>>
        tpu.enqueue_indirect_dma source(%dma_start3A_575 : memref<1000000x64xf32, #tpu.memory_space<hbm>>) target(%dma_start3A_569 : memref<1x64xf32, #tpu.memory_space<vmem>>) offsets(%dma_start3A_572 : memref<1xi32, #tpu.memory_space<vmem>>) semaphore(%arg13 : memref<!tpu.dma_semaphore, #tpu.memory_space<semaphore_mem>>)
      } else {
      }
      %add3A_376 = arith.constant 2 : i32
      %add3A_377 = arith.addi %add3A_216, %add3A_376 : i32
      %dma_wait3A_378 = arith.constant 0 : i32
      %dma_wait3A_379 = arith.constant 2 : i32
      %dma_wait3A_380 = arith.constant 0 : i32
      %dma_wait3A_381 = arith.constant 0 : i32
      %dma_wait3A_382 = tpu.memref_slice %arg9[%dma_wait3A_379, %dma_wait3A_380, %dma_wait3A_381] : memref<4x257x64xf32, #tpu.memory_space<vmem>> -> memref<1x128x64xf32, #tpu.memory_space<vmem>>
      %dma_wait3A_383 = tpu.memref_squeeze %dma_wait3A_382 : memref<1x128x64xf32, #tpu.memory_space<vmem>> -> memref<128x64xf32, #tpu.memory_space<vmem>>
      %dma_wait3A_384 = arith.constant 0 : i32
      %dma_wait3A_385 = tpu.memref_slice %arg8[%add3A_377, %dma_wait3A_378, %dma_wait3A_384] : memref<32x3x128xi32, #tpu.memory_space<vmem>> -> memref<1x1x128xi32, #tpu.memory_space<vmem>>
      %dma_wait3A_386 = tpu.memref_squeeze %dma_wait3A_385 : memref<1x1x128xi32, #tpu.memory_space<vmem>> -> memref<128xi32, #tpu.memory_space<vmem>>
      %dma_wait3A_387 = arith.constant 0 : i32
      %dma_wait3A_388 = arith.constant 0 : i32
      %dma_wait3A_389 = tpu.memref_slice %arg4[%dma_wait3A_387, %dma_wait3A_388] : memref<1000000x64xf32, #tpu.memory_space<hbm>> -> memref<1000000x64xf32, #tpu.memory_space<hbm>>
      tpu.wait_indirect_dma semaphore(%arg14 : memref<!tpu.dma_semaphore, #tpu.memory_space<semaphore_mem>>) src(%dma_wait3A_389 : memref<1000000x64xf32, #tpu.memory_space<hbm>>) dst(%dma_wait3A_383 : memref<128x64xf32, #tpu.memory_space<vmem>>)
      %dma_wait3A_390 = arith.constant 1 : i32
      %dma_wait3A_391 = arith.constant 2 : i32
      %dma_wait3A_392 = arith.constant 128 : i32
      %dma_wait3A_393 = arith.constant 0 : i32
      %dma_wait3A_394 = tpu.memref_slice %arg9[%dma_wait3A_391, %dma_wait3A_392, %dma_wait3A_393] : memref<4x257x64xf32, #tpu.memory_space<vmem>> -> memref<1x128x64xf32, #tpu.memory_space<vmem>>
      %dma_wait3A_395 = tpu.memref_squeeze %dma_wait3A_394 : memref<1x128x64xf32, #tpu.memory_space<vmem>> -> memref<128x64xf32, #tpu.memory_space<vmem>>
      %dma_wait3A_396 = arith.constant 0 : i32
      %dma_wait3A_397 = tpu.memref_slice %arg8[%add3A_377, %dma_wait3A_390, %dma_wait3A_396] : memref<32x3x128xi32, #tpu.memory_space<vmem>> -> memref<1x1x128xi32, #tpu.memory_space<vmem>>
      %dma_wait3A_398 = tpu.memref_squeeze %dma_wait3A_397 : memref<1x1x128xi32, #tpu.memory_space<vmem>> -> memref<128xi32, #tpu.memory_space<vmem>>
      %dma_wait3A_399 = arith.constant 0 : i32
      %dma_wait3A_400 = arith.constant 0 : i32
      %dma_wait3A_401 = tpu.memref_slice %arg4[%dma_wait3A_399, %dma_wait3A_400] : memref<1000000x64xf32, #tpu.memory_space<hbm>> -> memref<1000000x64xf32, #tpu.memory_space<hbm>>
      tpu.wait_indirect_dma semaphore(%arg14 : memref<!tpu.dma_semaphore, #tpu.memory_space<semaphore_mem>>) src(%dma_wait3A_401 : memref<1000000x64xf32, #tpu.memory_space<hbm>>) dst(%dma_wait3A_395 : memref<128x64xf32, #tpu.memory_space<vmem>>)
      %dma_wait3A_402 = arith.constant 2 : i32
      %dma_wait3A_403 = arith.constant 2 : i32
      %dma_wait3A_404 = arith.constant 256 : i32
      %dma_wait3A_405 = arith.constant 0 : i32
      %dma_wait3A_406 = tpu.memref_slice %arg9[%dma_wait3A_403, %dma_wait3A_404, %dma_wait3A_405] : memref<4x257x64xf32, #tpu.memory_space<vmem>> -> memref<1x1x64xf32, #tpu.memory_space<vmem>>
      %dma_wait3A_407 = tpu.memref_squeeze %dma_wait3A_406 : memref<1x1x64xf32, #tpu.memory_space<vmem>> -> memref<1x64xf32, #tpu.memory_space<vmem>>
      %dma_wait3A_408 = arith.constant 0 : i32
      %dma_wait3A_409 = tpu.memref_slice %arg8[%add3A_377, %dma_wait3A_402, %dma_wait3A_408] : memref<32x3x128xi32, #tpu.memory_space<vmem>> -> memref<1x1x1xi32, #tpu.memory_space<vmem>>
      %dma_wait3A_410 = tpu.memref_squeeze %dma_wait3A_409 : memref<1x1x1xi32, #tpu.memory_space<vmem>> -> memref<1xi32, #tpu.memory_space<vmem>>
      %dma_wait3A_411 = arith.constant 0 : i32
      %dma_wait3A_412 = arith.constant 0 : i32
      %dma_wait3A_413 = tpu.memref_slice %arg4[%dma_wait3A_411, %dma_wait3A_412] : memref<1000000x64xf32, #tpu.memory_space<hbm>> -> memref<1000000x64xf32, #tpu.memory_space<hbm>>
      tpu.wait_indirect_dma semaphore(%arg14 : memref<!tpu.dma_semaphore, #tpu.memory_space<semaphore_mem>>) src(%dma_wait3A_413 : memref<1000000x64xf32, #tpu.memory_space<hbm>>) dst(%dma_wait3A_407 : memref<1x64xf32, #tpu.memory_space<vmem>>)
      %add3A_414 = arith.addi %mul3A_2, %add3A_377 : i32
      %dma_start3A_415 = arith.constant 2 : i32
      %dma_start3A_416 = arith.constant 0 : i32
      %dma_start3A_417 = arith.constant 0 : i32
      %dma_start3A_418 = tpu.memref_slice %arg9[%dma_start3A_415, %dma_start3A_416, %dma_start3A_417] : memref<4x257x64xf32, #tpu.memory_space<vmem>> -> memref<1x257x64xf32, #tpu.memory_space<vmem>>
      %dma_start3A_419 = tpu.memref_squeeze %dma_start3A_418 : memref<1x257x64xf32, #tpu.memory_space<vmem>> -> memref<257x64xf32, #tpu.memory_space<vmem>>
      %dma_start3A_420 = arith.constant 0 : i32
      %dma_start3A_421 = arith.constant 0 : i32
      %dma_start3A_422 = tpu.memref_slice %arg6[%add3A_414, %dma_start3A_420, %dma_start3A_421] : memref<1024x257x64xf32, #tpu.memory_space<hbm>> -> memref<1x257x64xf32, #tpu.memory_space<hbm>>
      %dma_start3A_423 = tpu.memref_squeeze %dma_start3A_422 : memref<1x257x64xf32, #tpu.memory_space<hbm>> -> memref<257x64xf32, #tpu.memory_space<hbm>>
      %dma_start3A_424 = arith.constant 0 : i32
      %dma_start3A_425 = arith.constant 0 : i32
      %dma_start3A_426 = tpu.memref_slice %arg6[%add3A_414, %dma_start3A_424, %dma_start3A_425] : memref<1024x257x64xf32, #tpu.memory_space<hbm>> -> memref<1x257x64xf32, #tpu.memory_space<hbm>>
      %dma_start3A_427 = tpu.memref_squeeze %dma_start3A_426 : memref<1x257x64xf32, #tpu.memory_space<hbm>> -> memref<257x64xf32, #tpu.memory_space<hbm>>
      %dma_start3A_428 = arith.constant 0 : i32
      %dma_start3A_429 = arith.constant 0 : i32
      %dma_start3A_430 = tpu.memref_slice %arg9[%dma_start3A_415, %dma_start3A_428, %dma_start3A_429] : memref<4x257x64xf32, #tpu.memory_space<vmem>> -> memref<1x257x64xf32, #tpu.memory_space<vmem>>
      %dma_start3A_431 = tpu.memref_squeeze %dma_start3A_430 : memref<1x257x64xf32, #tpu.memory_space<vmem>> -> memref<257x64xf32, #tpu.memory_space<vmem>>
      tpu.enqueue_dma source(%dma_start3A_431 : memref<257x64xf32, #tpu.memory_space<vmem>>) target(%dma_start3A_427 : memref<257x64xf32, #tpu.memory_space<hbm>>) target_semaphore(%arg18 : memref<!tpu.dma_semaphore, #tpu.memory_space<semaphore_mem>>)
      %add3A_432 = arith.addi %mul3A_2, %add3A_377 : i32
      %dma_wait3A_433 = arith.constant 2 : i32
      %dma_wait3A_434 = arith.constant 0 : i32
      %dma_wait3A_435 = arith.constant 0 : i32
      %dma_wait3A_436 = tpu.memref_slice %arg9[%dma_wait3A_433, %dma_wait3A_434, %dma_wait3A_435] : memref<4x257x64xf32, #tpu.memory_space<vmem>> -> memref<1x257x64xf32, #tpu.memory_space<vmem>>
      %dma_wait3A_437 = tpu.memref_squeeze %dma_wait3A_436 : memref<1x257x64xf32, #tpu.memory_space<vmem>> -> memref<257x64xf32, #tpu.memory_space<vmem>>
      %dma_wait3A_438 = arith.constant 0 : i32
      %dma_wait3A_439 = arith.constant 0 : i32
      %dma_wait3A_440 = tpu.memref_slice %arg6[%add3A_432, %dma_wait3A_438, %dma_wait3A_439] : memref<1024x257x64xf32, #tpu.memory_space<hbm>> -> memref<1x257x64xf32, #tpu.memory_space<hbm>>
      %dma_wait3A_441 = tpu.memref_squeeze %dma_wait3A_440 : memref<1x257x64xf32, #tpu.memory_space<hbm>> -> memref<257x64xf32, #tpu.memory_space<hbm>>
      %dma_wait3A_442 = arith.constant 0 : i32
      %dma_wait3A_443 = arith.constant 0 : i32
      %dma_wait3A_444 = tpu.memref_slice %arg6[%add3A_432, %dma_wait3A_442, %dma_wait3A_443] : memref<1024x257x64xf32, #tpu.memory_space<hbm>> -> memref<1x257x64xf32, #tpu.memory_space<hbm>>
      %dma_wait3A_445 = tpu.memref_squeeze %dma_wait3A_444 : memref<1x257x64xf32, #tpu.memory_space<hbm>> -> memref<257x64xf32, #tpu.memory_space<hbm>>
      %dma_wait3A_446 = arith.constant 0 : i32
      %dma_wait3A_447 = arith.constant 0 : i32
      %dma_wait3A_448 = tpu.memref_slice %arg9[%dma_wait3A_433, %dma_wait3A_446, %dma_wait3A_447] : memref<4x257x64xf32, #tpu.memory_space<vmem>> -> memref<1x257x64xf32, #tpu.memory_space<vmem>>
      %dma_wait3A_449 = tpu.memref_squeeze %dma_wait3A_448 : memref<1x257x64xf32, #tpu.memory_space<vmem>> -> memref<257x64xf32, #tpu.memory_space<vmem>>
      tpu.wait_dma2 semaphore(%arg18 : memref<!tpu.dma_semaphore, #tpu.memory_space<semaphore_mem>>) src(%dma_wait3A_449 : memref<257x64xf32, #tpu.memory_space<vmem>>) dst(%dma_wait3A_445 : memref<257x64xf32, #tpu.memory_space<hbm>>)
      %add3A_450 = arith.constant 4 : i32
      %add3A_451 = arith.addi %add3A_377, %add3A_450 : i32
      %lt3A_452 = arith.constant 32 : i32
      %lt3A_453 = arith.cmpi slt, %add3A_451, %lt3A_452 : i32
      %convert_element_type3A_454 = arith.extui %lt3A_453 : i1 to i32
      %cond3A_455 = arith.constant 0 : i32
      %cond3A_456 = arith.cmpi ne, %convert_element_type3A_454, %cond3A_455 : i32
      scf.if %cond3A_456 {
        %add3A_538 = arith.constant 4 : i32
        %add3A_539 = arith.addi %add3A_377, %add3A_538 : i32
        %dma_start3A_540 = arith.constant 0 : i32
        %dma_start3A_541 = arith.constant 2 : i32
        %dma_start3A_542 = arith.constant 0 : i32
        %dma_start3A_543 = arith.constant 0 : i32
        %dma_start3A_544 = tpu.memref_slice %arg9[%dma_start3A_541, %dma_start3A_542, %dma_start3A_543] : memref<4x257x64xf32, #tpu.memory_space<vmem>> -> memref<1x128x64xf32, #tpu.memory_space<vmem>>
        %dma_start3A_545 = tpu.memref_squeeze %dma_start3A_544 : memref<1x128x64xf32, #tpu.memory_space<vmem>> -> memref<128x64xf32, #tpu.memory_space<vmem>>
        %dma_start3A_546 = arith.constant 0 : i32
        %dma_start3A_547 = tpu.memref_slice %arg8[%add3A_539, %dma_start3A_540, %dma_start3A_546] : memref<32x3x128xi32, #tpu.memory_space<vmem>> -> memref<1x1x128xi32, #tpu.memory_space<vmem>>
        %dma_start3A_548 = tpu.memref_squeeze %dma_start3A_547 : memref<1x1x128xi32, #tpu.memory_space<vmem>> -> memref<128xi32, #tpu.memory_space<vmem>>
        %dma_start3A_549 = arith.constant 0 : i32
        %dma_start3A_550 = arith.constant 0 : i32
        %dma_start3A_551 = tpu.memref_slice %arg4[%dma_start3A_549, %dma_start3A_550] : memref<1000000x64xf32, #tpu.memory_space<hbm>> -> memref<1000000x64xf32, #tpu.memory_space<hbm>>
        tpu.enqueue_indirect_dma source(%dma_start3A_551 : memref<1000000x64xf32, #tpu.memory_space<hbm>>) target(%dma_start3A_545 : memref<128x64xf32, #tpu.memory_space<vmem>>) offsets(%dma_start3A_548 : memref<128xi32, #tpu.memory_space<vmem>>) semaphore(%arg14 : memref<!tpu.dma_semaphore, #tpu.memory_space<semaphore_mem>>)
        %dma_start3A_552 = arith.constant 1 : i32
        %dma_start3A_553 = arith.constant 2 : i32
        %dma_start3A_554 = arith.constant 128 : i32
        %dma_start3A_555 = arith.constant 0 : i32
        %dma_start3A_556 = tpu.memref_slice %arg9[%dma_start3A_553, %dma_start3A_554, %dma_start3A_555] : memref<4x257x64xf32, #tpu.memory_space<vmem>> -> memref<1x128x64xf32, #tpu.memory_space<vmem>>
        %dma_start3A_557 = tpu.memref_squeeze %dma_start3A_556 : memref<1x128x64xf32, #tpu.memory_space<vmem>> -> memref<128x64xf32, #tpu.memory_space<vmem>>
        %dma_start3A_558 = arith.constant 0 : i32
        %dma_start3A_559 = tpu.memref_slice %arg8[%add3A_539, %dma_start3A_552, %dma_start3A_558] : memref<32x3x128xi32, #tpu.memory_space<vmem>> -> memref<1x1x128xi32, #tpu.memory_space<vmem>>
        %dma_start3A_560 = tpu.memref_squeeze %dma_start3A_559 : memref<1x1x128xi32, #tpu.memory_space<vmem>> -> memref<128xi32, #tpu.memory_space<vmem>>
        %dma_start3A_561 = arith.constant 0 : i32
        %dma_start3A_562 = arith.constant 0 : i32
        %dma_start3A_563 = tpu.memref_slice %arg4[%dma_start3A_561, %dma_start3A_562] : memref<1000000x64xf32, #tpu.memory_space<hbm>> -> memref<1000000x64xf32, #tpu.memory_space<hbm>>
        tpu.enqueue_indirect_dma source(%dma_start3A_563 : memref<1000000x64xf32, #tpu.memory_space<hbm>>) target(%dma_start3A_557 : memref<128x64xf32, #tpu.memory_space<vmem>>) offsets(%dma_start3A_560 : memref<128xi32, #tpu.memory_space<vmem>>) semaphore(%arg14 : memref<!tpu.dma_semaphore, #tpu.memory_space<semaphore_mem>>)
        %dma_start3A_564 = arith.constant 2 : i32
        %dma_start3A_565 = arith.constant 2 : i32
        %dma_start3A_566 = arith.constant 256 : i32
        %dma_start3A_567 = arith.constant 0 : i32
        %dma_start3A_568 = tpu.memref_slice %arg9[%dma_start3A_565, %dma_start3A_566, %dma_start3A_567] : memref<4x257x64xf32, #tpu.memory_space<vmem>> -> memref<1x1x64xf32, #tpu.memory_space<vmem>>
        %dma_start3A_569 = tpu.memref_squeeze %dma_start3A_568 : memref<1x1x64xf32, #tpu.memory_space<vmem>> -> memref<1x64xf32, #tpu.memory_space<vmem>>
        %dma_start3A_570 = arith.constant 0 : i32
        %dma_start3A_571 = tpu.memref_slice %arg8[%add3A_539, %dma_start3A_564, %dma_start3A_570] : memref<32x3x128xi32, #tpu.memory_space<vmem>> -> memref<1x1x1xi32, #tpu.memory_space<vmem>>
        %dma_start3A_572 = tpu.memref_squeeze %dma_start3A_571 : memref<1x1x1xi32, #tpu.memory_space<vmem>> -> memref<1xi32, #tpu.memory_space<vmem>>
        %dma_start3A_573 = arith.constant 0 : i32
        %dma_start3A_574 = arith.constant 0 : i32
        %dma_start3A_575 = tpu.memref_slice %arg4[%dma_start3A_573, %dma_start3A_574] : memref<1000000x64xf32, #tpu.memory_space<hbm>> -> memref<1000000x64xf32, #tpu.memory_space<hbm>>
        tpu.enqueue_indirect_dma source(%dma_start3A_575 : memref<1000000x64xf32, #tpu.memory_space<hbm>>) target(%dma_start3A_569 : memref<1x64xf32, #tpu.memory_space<vmem>>) offsets(%dma_start3A_572 : memref<1xi32, #tpu.memory_space<vmem>>) semaphore(%arg14 : memref<!tpu.dma_semaphore, #tpu.memory_space<semaphore_mem>>)
      } else {
      }
      %add3A_457 = arith.constant 3 : i32
      %add3A_458 = arith.addi %add3A_216, %add3A_457 : i32
      %dma_wait3A_459 = arith.constant 0 : i32
      %dma_wait3A_460 = arith.constant 3 : i32
      %dma_wait3A_461 = arith.constant 0 : i32
      %dma_wait3A_462 = arith.constant 0 : i32
      %dma_wait3A_463 = tpu.memref_slice %arg9[%dma_wait3A_460, %dma_wait3A_461, %dma_wait3A_462] : memref<4x257x64xf32, #tpu.memory_space<vmem>> -> memref<1x128x64xf32, #tpu.memory_space<vmem>>
      %dma_wait3A_464 = tpu.memref_squeeze %dma_wait3A_463 : memref<1x128x64xf32, #tpu.memory_space<vmem>> -> memref<128x64xf32, #tpu.memory_space<vmem>>
      %dma_wait3A_465 = arith.constant 0 : i32
      %dma_wait3A_466 = tpu.memref_slice %arg8[%add3A_458, %dma_wait3A_459, %dma_wait3A_465] : memref<32x3x128xi32, #tpu.memory_space<vmem>> -> memref<1x1x128xi32, #tpu.memory_space<vmem>>
      %dma_wait3A_467 = tpu.memref_squeeze %dma_wait3A_466 : memref<1x1x128xi32, #tpu.memory_space<vmem>> -> memref<128xi32, #tpu.memory_space<vmem>>
      %dma_wait3A_468 = arith.constant 0 : i32
      %dma_wait3A_469 = arith.constant 0 : i32
      %dma_wait3A_470 = tpu.memref_slice %arg4[%dma_wait3A_468, %dma_wait3A_469] : memref<1000000x64xf32, #tpu.memory_space<hbm>> -> memref<1000000x64xf32, #tpu.memory_space<hbm>>
      tpu.wait_indirect_dma semaphore(%arg15 : memref<!tpu.dma_semaphore, #tpu.memory_space<semaphore_mem>>) src(%dma_wait3A_470 : memref<1000000x64xf32, #tpu.memory_space<hbm>>) dst(%dma_wait3A_464 : memref<128x64xf32, #tpu.memory_space<vmem>>)
      %dma_wait3A_471 = arith.constant 1 : i32
      %dma_wait3A_472 = arith.constant 3 : i32
      %dma_wait3A_473 = arith.constant 128 : i32
      %dma_wait3A_474 = arith.constant 0 : i32
      %dma_wait3A_475 = tpu.memref_slice %arg9[%dma_wait3A_472, %dma_wait3A_473, %dma_wait3A_474] : memref<4x257x64xf32, #tpu.memory_space<vmem>> -> memref<1x128x64xf32, #tpu.memory_space<vmem>>
      %dma_wait3A_476 = tpu.memref_squeeze %dma_wait3A_475 : memref<1x128x64xf32, #tpu.memory_space<vmem>> -> memref<128x64xf32, #tpu.memory_space<vmem>>
      %dma_wait3A_477 = arith.constant 0 : i32
      %dma_wait3A_478 = tpu.memref_slice %arg8[%add3A_458, %dma_wait3A_471, %dma_wait3A_477] : memref<32x3x128xi32, #tpu.memory_space<vmem>> -> memref<1x1x128xi32, #tpu.memory_space<vmem>>
      %dma_wait3A_479 = tpu.memref_squeeze %dma_wait3A_478 : memref<1x1x128xi32, #tpu.memory_space<vmem>> -> memref<128xi32, #tpu.memory_space<vmem>>
      %dma_wait3A_480 = arith.constant 0 : i32
      %dma_wait3A_481 = arith.constant 0 : i32
      %dma_wait3A_482 = tpu.memref_slice %arg4[%dma_wait3A_480, %dma_wait3A_481] : memref<1000000x64xf32, #tpu.memory_space<hbm>> -> memref<1000000x64xf32, #tpu.memory_space<hbm>>
      tpu.wait_indirect_dma semaphore(%arg15 : memref<!tpu.dma_semaphore, #tpu.memory_space<semaphore_mem>>) src(%dma_wait3A_482 : memref<1000000x64xf32, #tpu.memory_space<hbm>>) dst(%dma_wait3A_476 : memref<128x64xf32, #tpu.memory_space<vmem>>)
      %dma_wait3A_483 = arith.constant 2 : i32
      %dma_wait3A_484 = arith.constant 3 : i32
      %dma_wait3A_485 = arith.constant 256 : i32
      %dma_wait3A_486 = arith.constant 0 : i32
      %dma_wait3A_487 = tpu.memref_slice %arg9[%dma_wait3A_484, %dma_wait3A_485, %dma_wait3A_486] : memref<4x257x64xf32, #tpu.memory_space<vmem>> -> memref<1x1x64xf32, #tpu.memory_space<vmem>>
      %dma_wait3A_488 = tpu.memref_squeeze %dma_wait3A_487 : memref<1x1x64xf32, #tpu.memory_space<vmem>> -> memref<1x64xf32, #tpu.memory_space<vmem>>
      %dma_wait3A_489 = arith.constant 0 : i32
      %dma_wait3A_490 = tpu.memref_slice %arg8[%add3A_458, %dma_wait3A_483, %dma_wait3A_489] : memref<32x3x128xi32, #tpu.memory_space<vmem>> -> memref<1x1x1xi32, #tpu.memory_space<vmem>>
      %dma_wait3A_491 = tpu.memref_squeeze %dma_wait3A_490 : memref<1x1x1xi32, #tpu.memory_space<vmem>> -> memref<1xi32, #tpu.memory_space<vmem>>
      %dma_wait3A_492 = arith.constant 0 : i32
      %dma_wait3A_493 = arith.constant 0 : i32
      %dma_wait3A_494 = tpu.memref_slice %arg4[%dma_wait3A_492, %dma_wait3A_493] : memref<1000000x64xf32, #tpu.memory_space<hbm>> -> memref<1000000x64xf32, #tpu.memory_space<hbm>>
      tpu.wait_indirect_dma semaphore(%arg15 : memref<!tpu.dma_semaphore, #tpu.memory_space<semaphore_mem>>) src(%dma_wait3A_494 : memref<1000000x64xf32, #tpu.memory_space<hbm>>) dst(%dma_wait3A_488 : memref<1x64xf32, #tpu.memory_space<vmem>>)
      %add3A_495 = arith.addi %mul3A_2, %add3A_458 : i32
      %dma_start3A_496 = arith.constant 3 : i32
      %dma_start3A_497 = arith.constant 0 : i32
      %dma_start3A_498 = arith.constant 0 : i32
      %dma_start3A_499 = tpu.memref_slice %arg9[%dma_start3A_496, %dma_start3A_497, %dma_start3A_498] : memref<4x257x64xf32, #tpu.memory_space<vmem>> -> memref<1x257x64xf32, #tpu.memory_space<vmem>>
      %dma_start3A_500 = tpu.memref_squeeze %dma_start3A_499 : memref<1x257x64xf32, #tpu.memory_space<vmem>> -> memref<257x64xf32, #tpu.memory_space<vmem>>
      %dma_start3A_501 = arith.constant 0 : i32
      %dma_start3A_502 = arith.constant 0 : i32
      %dma_start3A_503 = tpu.memref_slice %arg6[%add3A_495, %dma_start3A_501, %dma_start3A_502] : memref<1024x257x64xf32, #tpu.memory_space<hbm>> -> memref<1x257x64xf32, #tpu.memory_space<hbm>>
      %dma_start3A_504 = tpu.memref_squeeze %dma_start3A_503 : memref<1x257x64xf32, #tpu.memory_space<hbm>> -> memref<257x64xf32, #tpu.memory_space<hbm>>
      %dma_start3A_505 = arith.constant 0 : i32
      %dma_start3A_506 = arith.constant 0 : i32
      %dma_start3A_507 = tpu.memref_slice %arg6[%add3A_495, %dma_start3A_505, %dma_start3A_506] : memref<1024x257x64xf32, #tpu.memory_space<hbm>> -> memref<1x257x64xf32, #tpu.memory_space<hbm>>
      %dma_start3A_508 = tpu.memref_squeeze %dma_start3A_507 : memref<1x257x64xf32, #tpu.memory_space<hbm>> -> memref<257x64xf32, #tpu.memory_space<hbm>>
      %dma_start3A_509 = arith.constant 0 : i32
      %dma_start3A_510 = arith.constant 0 : i32
      %dma_start3A_511 = tpu.memref_slice %arg9[%dma_start3A_496, %dma_start3A_509, %dma_start3A_510] : memref<4x257x64xf32, #tpu.memory_space<vmem>> -> memref<1x257x64xf32, #tpu.memory_space<vmem>>
      %dma_start3A_512 = tpu.memref_squeeze %dma_start3A_511 : memref<1x257x64xf32, #tpu.memory_space<vmem>> -> memref<257x64xf32, #tpu.memory_space<vmem>>
      tpu.enqueue_dma source(%dma_start3A_512 : memref<257x64xf32, #tpu.memory_space<vmem>>) target(%dma_start3A_508 : memref<257x64xf32, #tpu.memory_space<hbm>>) target_semaphore(%arg19 : memref<!tpu.dma_semaphore, #tpu.memory_space<semaphore_mem>>)
      %add3A_513 = arith.addi %mul3A_2, %add3A_458 : i32
      %dma_wait3A_514 = arith.constant 3 : i32
      %dma_wait3A_515 = arith.constant 0 : i32
      %dma_wait3A_516 = arith.constant 0 : i32
      %dma_wait3A_517 = tpu.memref_slice %arg9[%dma_wait3A_514, %dma_wait3A_515, %dma_wait3A_516] : memref<4x257x64xf32, #tpu.memory_space<vmem>> -> memref<1x257x64xf32, #tpu.memory_space<vmem>>
      %dma_wait3A_518 = tpu.memref_squeeze %dma_wait3A_517 : memref<1x257x64xf32, #tpu.memory_space<vmem>> -> memref<257x64xf32, #tpu.memory_space<vmem>>
      %dma_wait3A_519 = arith.constant 0 : i32
      %dma_wait3A_520 = arith.constant 0 : i32
      %dma_wait3A_521 = tpu.memref_slice %arg6[%add3A_513, %dma_wait3A_519, %dma_wait3A_520] : memref<1024x257x64xf32, #tpu.memory_space<hbm>> -> memref<1x257x64xf32, #tpu.memory_space<hbm>>
      %dma_wait3A_522 = tpu.memref_squeeze %dma_wait3A_521 : memref<1x257x64xf32, #tpu.memory_space<hbm>> -> memref<257x64xf32, #tpu.memory_space<hbm>>
      %dma_wait3A_523 = arith.constant 0 : i32
      %dma_wait3A_524 = arith.constant 0 : i32
      %dma_wait3A_525 = tpu.memref_slice %arg6[%add3A_513, %dma_wait3A_523, %dma_wait3A_524] : memref<1024x257x64xf32, #tpu.memory_space<hbm>> -> memref<1x257x64xf32, #tpu.memory_space<hbm>>
      %dma_wait3A_526 = tpu.memref_squeeze %dma_wait3A_525 : memref<1x257x64xf32, #tpu.memory_space<hbm>> -> memref<257x64xf32, #tpu.memory_space<hbm>>
      %dma_wait3A_527 = arith.constant 0 : i32
      %dma_wait3A_528 = arith.constant 0 : i32
      %dma_wait3A_529 = tpu.memref_slice %arg9[%dma_wait3A_514, %dma_wait3A_527, %dma_wait3A_528] : memref<4x257x64xf32, #tpu.memory_space<vmem>> -> memref<1x257x64xf32, #tpu.memory_space<vmem>>
      %dma_wait3A_530 = tpu.memref_squeeze %dma_wait3A_529 : memref<1x257x64xf32, #tpu.memory_space<vmem>> -> memref<257x64xf32, #tpu.memory_space<vmem>>
      tpu.wait_dma2 semaphore(%arg19 : memref<!tpu.dma_semaphore, #tpu.memory_space<semaphore_mem>>) src(%dma_wait3A_530 : memref<257x64xf32, #tpu.memory_space<vmem>>) dst(%dma_wait3A_526 : memref<257x64xf32, #tpu.memory_space<hbm>>)
      %add3A_531 = arith.constant 4 : i32
      %add3A_532 = arith.addi %add3A_458, %add3A_531 : i32
      %lt3A_533 = arith.constant 32 : i32
      %lt3A_534 = arith.cmpi slt, %add3A_532, %lt3A_533 : i32
      %convert_element_type3A_535 = arith.extui %lt3A_534 : i1 to i32
      %cond3A_536 = arith.constant 0 : i32
      %cond3A_537 = arith.cmpi ne, %convert_element_type3A_535, %cond3A_536 : i32
      scf.if %cond3A_537 {
        %add3A_538 = arith.constant 4 : i32
        %add3A_539 = arith.addi %add3A_458, %add3A_538 : i32
        %dma_start3A_540 = arith.constant 0 : i32
        %dma_start3A_541 = arith.constant 3 : i32
        %dma_start3A_542 = arith.constant 0 : i32
        %dma_start3A_543 = arith.constant 0 : i32
        %dma_start3A_544 = tpu.memref_slice %arg9[%dma_start3A_541, %dma_start3A_542, %dma_start3A_543] : memref<4x257x64xf32, #tpu.memory_space<vmem>> -> memref<1x128x64xf32, #tpu.memory_space<vmem>>
        %dma_start3A_545 = tpu.memref_squeeze %dma_start3A_544 : memref<1x128x64xf32, #tpu.memory_space<vmem>> -> memref<128x64xf32, #tpu.memory_space<vmem>>
        %dma_start3A_546 = arith.constant 0 : i32
        %dma_start3A_547 = tpu.memref_slice %arg8[%add3A_539, %dma_start3A_540, %dma_start3A_546] : memref<32x3x128xi32, #tpu.memory_space<vmem>> -> memref<1x1x128xi32, #tpu.memory_space<vmem>>
        %dma_start3A_548 = tpu.memref_squeeze %dma_start3A_547 : memref<1x1x128xi32, #tpu.memory_space<vmem>> -> memref<128xi32, #tpu.memory_space<vmem>>
        %dma_start3A_549 = arith.constant 0 : i32
        %dma_start3A_550 = arith.constant 0 : i32
        %dma_start3A_551 = tpu.memref_slice %arg4[%dma_start3A_549, %dma_start3A_550] : memref<1000000x64xf32, #tpu.memory_space<hbm>> -> memref<1000000x64xf32, #tpu.memory_space<hbm>>
        tpu.enqueue_indirect_dma source(%dma_start3A_551 : memref<1000000x64xf32, #tpu.memory_space<hbm>>) target(%dma_start3A_545 : memref<128x64xf32, #tpu.memory_space<vmem>>) offsets(%dma_start3A_548 : memref<128xi32, #tpu.memory_space<vmem>>) semaphore(%arg15 : memref<!tpu.dma_semaphore, #tpu.memory_space<semaphore_mem>>)
        %dma_start3A_552 = arith.constant 1 : i32
        %dma_start3A_553 = arith.constant 3 : i32
        %dma_start3A_554 = arith.constant 128 : i32
        %dma_start3A_555 = arith.constant 0 : i32
        %dma_start3A_556 = tpu.memref_slice %arg9[%dma_start3A_553, %dma_start3A_554, %dma_start3A_555] : memref<4x257x64xf32, #tpu.memory_space<vmem>> -> memref<1x128x64xf32, #tpu.memory_space<vmem>>
        %dma_start3A_557 = tpu.memref_squeeze %dma_start3A_556 : memref<1x128x64xf32, #tpu.memory_space<vmem>> -> memref<128x64xf32, #tpu.memory_space<vmem>>
        %dma_start3A_558 = arith.constant 0 : i32
        %dma_start3A_559 = tpu.memref_slice %arg8[%add3A_539, %dma_start3A_552, %dma_start3A_558] : memref<32x3x128xi32, #tpu.memory_space<vmem>> -> memref<1x1x128xi32, #tpu.memory_space<vmem>>
        %dma_start3A_560 = tpu.memref_squeeze %dma_start3A_559 : memref<1x1x128xi32, #tpu.memory_space<vmem>> -> memref<128xi32, #tpu.memory_space<vmem>>
        %dma_start3A_561 = arith.constant 0 : i32
        %dma_start3A_562 = arith.constant 0 : i32
        %dma_start3A_563 = tpu.memref_slice %arg4[%dma_start3A_561, %dma_start3A_562] : memref<1000000x64xf32, #tpu.memory_space<hbm>> -> memref<1000000x64xf32, #tpu.memory_space<hbm>>
        tpu.enqueue_indirect_dma source(%dma_start3A_563 : memref<1000000x64xf32, #tpu.memory_space<hbm>>) target(%dma_start3A_557 : memref<128x64xf32, #tpu.memory_space<vmem>>) offsets(%dma_start3A_560 : memref<128xi32, #tpu.memory_space<vmem>>) semaphore(%arg15 : memref<!tpu.dma_semaphore, #tpu.memory_space<semaphore_mem>>)
        %dma_start3A_564 = arith.constant 2 : i32
        %dma_start3A_565 = arith.constant 3 : i32
        %dma_start3A_566 = arith.constant 256 : i32
        %dma_start3A_567 = arith.constant 0 : i32
        %dma_start3A_568 = tpu.memref_slice %arg9[%dma_start3A_565, %dma_start3A_566, %dma_start3A_567] : memref<4x257x64xf32, #tpu.memory_space<vmem>> -> memref<1x1x64xf32, #tpu.memory_space<vmem>>
        %dma_start3A_569 = tpu.memref_squeeze %dma_start3A_568 : memref<1x1x64xf32, #tpu.memory_space<vmem>> -> memref<1x64xf32, #tpu.memory_space<vmem>>
        %dma_start3A_570 = arith.constant 0 : i32
        %dma_start3A_571 = tpu.memref_slice %arg8[%add3A_539, %dma_start3A_564, %dma_start3A_570] : memref<32x3x128xi32, #tpu.memory_space<vmem>> -> memref<1x1x1xi32, #tpu.memory_space<vmem>>
        %dma_start3A_572 = tpu.memref_squeeze %dma_start3A_571 : memref<1x1x1xi32, #tpu.memory_space<vmem>> -> memref<1xi32, #tpu.memory_space<vmem>>
        %dma_start3A_573 = arith.constant 0 : i32
        %dma_start3A_574 = arith.constant 0 : i32
        %dma_start3A_575 = tpu.memref_slice %arg4[%dma_start3A_573, %dma_start3A_574] : memref<1000000x64xf32, #tpu.memory_space<hbm>> -> memref<1000000x64xf32, #tpu.memory_space<hbm>>
        tpu.enqueue_indirect_dma source(%dma_start3A_575 : memref<1000000x64xf32, #tpu.memory_space<hbm>>) target(%dma_start3A_569 : memref<1x64xf32, #tpu.memory_space<vmem>>) offsets(%dma_start3A_572 : memref<1xi32, #tpu.memory_space<vmem>>) semaphore(%arg15 : memref<!tpu.dma_semaphore, #tpu.memory_space<semaphore_mem>>)
      } else {
      }
    }
    %scan3A_185 = arith.constant 8 : i32
    %dma_wait3A = arith.constant 0 : i32
    %dma_wait3A_186 = arith.constant 0 : i32
    %dma_wait3A_187 = arith.constant 0 : i32
    %dma_wait3A_188 = arith.constant 0 : i32
    %dma_wait3A_189 = tpu.memref_slice %arg11[%dma_wait3A_186, %dma_wait3A_187, %dma_wait3A_188] : memref<2x32x64xf32, #tpu.memory_space<vmem>> -> memref<1x32x64xf32, #tpu.memory_space<vmem>>
    %dma_wait3A_190 = tpu.memref_squeeze %dma_wait3A_189 : memref<1x32x64xf32, #tpu.memory_space<vmem>> -> memref<32x64xf32, #tpu.memory_space<vmem>>
    %dma_wait3A_191 = arith.constant 0 : i32
    %dma_wait3A_192 = tpu.memref_slice %arg10[%dma_wait3A, %dma_wait3A_191] : memref<2x32xi32, #tpu.memory_space<vmem>> -> memref<1x32xi32, #tpu.memory_space<vmem>>
    %dma_wait3A_193 = tpu.memref_squeeze %dma_wait3A_192 : memref<1x32xi32, #tpu.memory_space<vmem>> -> memref<32xi32, #tpu.memory_space<vmem>>
    %dma_wait3A_194 = arith.constant 0 : i32
    %dma_wait3A_195 = arith.constant 0 : i32
    %dma_wait3A_196 = tpu.memref_slice %arg4[%dma_wait3A_194, %dma_wait3A_195] : memref<1000000x64xf32, #tpu.memory_space<hbm>> -> memref<1000000x64xf32, #tpu.memory_space<hbm>>
    tpu.wait_indirect_dma semaphore(%arg20 : memref<!tpu.dma_semaphore, #tpu.memory_space<semaphore_mem>>) src(%dma_wait3A_196 : memref<1000000x64xf32, #tpu.memory_space<hbm>>) dst(%dma_wait3A_190 : memref<32x64xf32, #tpu.memory_space<vmem>>)
    %run_scoped3A = arith.constant 0 : i32
    "tpu.region"() ({
      %run_scoped3A_212 = tpu.sem_alloc : memref<!tpu.dma_semaphore, #tpu.memory_space<semaphore_mem>>
      %dma_start3A_213 = arith.constant 0 : i32
      %dma_start3A_214 = arith.constant 0 : i32
      %dma_start3A_215 = tpu.memref_slice %arg11[%run_scoped3A, %dma_start3A_213, %dma_start3A_214] : memref<2x32x64xf32, #tpu.memory_space<vmem>> -> memref<1x32x64xf32, #tpu.memory_space<vmem>>
      %dma_start3A_216 = tpu.memref_squeeze %dma_start3A_215 : memref<1x32x64xf32, #tpu.memory_space<vmem>> -> memref<32x64xf32, #tpu.memory_space<vmem>>
      %dma_start3A_217 = arith.constant 0 : i32
      %dma_start3A_218 = tpu.memref_slice %arg7[%mul3A_2, %dma_start3A_217] : memref<2048x64xf32, #tpu.memory_space<hbm>> -> memref<32x64xf32, #tpu.memory_space<hbm>>
      %dma_start3A_219 = arith.constant 0 : i32
      %dma_start3A_220 = tpu.memref_slice %arg7[%mul3A_2, %dma_start3A_219] : memref<2048x64xf32, #tpu.memory_space<hbm>> -> memref<32x64xf32, #tpu.memory_space<hbm>>
      %dma_start3A_221 = arith.constant 0 : i32
      %dma_start3A_222 = arith.constant 0 : i32
      %dma_start3A_223 = tpu.memref_slice %arg11[%run_scoped3A, %dma_start3A_221, %dma_start3A_222] : memref<2x32x64xf32, #tpu.memory_space<vmem>> -> memref<1x32x64xf32, #tpu.memory_space<vmem>>
      %dma_start3A_224 = tpu.memref_squeeze %dma_start3A_223 : memref<1x32x64xf32, #tpu.memory_space<vmem>> -> memref<32x64xf32, #tpu.memory_space<vmem>>
      tpu.enqueue_dma source(%dma_start3A_224 : memref<32x64xf32, #tpu.memory_space<vmem>>) target(%dma_start3A_220 : memref<32x64xf32, #tpu.memory_space<hbm>>) target_semaphore(%run_scoped3A_212 : memref<!tpu.dma_semaphore, #tpu.memory_space<semaphore_mem>>)
      %dma_wait3A_225 = arith.constant 0 : i32
      %dma_wait3A_226 = arith.constant 0 : i32
      %dma_wait3A_227 = tpu.memref_slice %arg11[%run_scoped3A, %dma_wait3A_225, %dma_wait3A_226] : memref<2x32x64xf32, #tpu.memory_space<vmem>> -> memref<1x32x64xf32, #tpu.memory_space<vmem>>
      %dma_wait3A_228 = tpu.memref_squeeze %dma_wait3A_227 : memref<1x32x64xf32, #tpu.memory_space<vmem>> -> memref<32x64xf32, #tpu.memory_space<vmem>>
      %dma_wait3A_229 = arith.constant 0 : i32
      %dma_wait3A_230 = tpu.memref_slice %arg7[%mul3A_2, %dma_wait3A_229] : memref<2048x64xf32, #tpu.memory_space<hbm>> -> memref<32x64xf32, #tpu.memory_space<hbm>>
      %dma_wait3A_231 = arith.constant 0 : i32
      %dma_wait3A_232 = tpu.memref_slice %arg7[%mul3A_2, %dma_wait3A_231] : memref<2048x64xf32, #tpu.memory_space<hbm>> -> memref<32x64xf32, #tpu.memory_space<hbm>>
      %dma_wait3A_233 = arith.constant 0 : i32
      %dma_wait3A_234 = arith.constant 0 : i32
      %dma_wait3A_235 = tpu.memref_slice %arg11[%run_scoped3A, %dma_wait3A_233, %dma_wait3A_234] : memref<2x32x64xf32, #tpu.memory_space<vmem>> -> memref<1x32x64xf32, #tpu.memory_space<vmem>>
      %dma_wait3A_236 = tpu.memref_squeeze %dma_wait3A_235 : memref<1x32x64xf32, #tpu.memory_space<vmem>> -> memref<32x64xf32, #tpu.memory_space<vmem>>
      tpu.wait_dma2 semaphore(%run_scoped3A_212 : memref<!tpu.dma_semaphore, #tpu.memory_space<semaphore_mem>>) src(%dma_wait3A_236 : memref<32x64xf32, #tpu.memory_space<vmem>>) dst(%dma_wait3A_232 : memref<32x64xf32, #tpu.memory_space<hbm>>)
      tpu.yield
    }) : () -> ()
    %dma_wait3A_197 = arith.constant 1 : i32
    %dma_wait3A_198 = arith.constant 1 : i32
    %dma_wait3A_199 = arith.constant 0 : i32
    %dma_wait3A_200 = arith.constant 0 : i32
    %dma_wait3A_201 = tpu.memref_slice %arg11[%dma_wait3A_198, %dma_wait3A_199, %dma_wait3A_200] : memref<2x32x64xf32, #tpu.memory_space<vmem>> -> memref<1x32x64xf32, #tpu.memory_space<vmem>>
    %dma_wait3A_202 = tpu.memref_squeeze %dma_wait3A_201 : memref<1x32x64xf32, #tpu.memory_space<vmem>> -> memref<32x64xf32, #tpu.memory_space<vmem>>
    %dma_wait3A_203 = arith.constant 0 : i32
    %dma_wait3A_204 = tpu.memref_slice %arg10[%dma_wait3A_197, %dma_wait3A_203] : memref<2x32xi32, #tpu.memory_space<vmem>> -> memref<1x32xi32, #tpu.memory_space<vmem>>
    %dma_wait3A_205 = tpu.memref_squeeze %dma_wait3A_204 : memref<1x32xi32, #tpu.memory_space<vmem>> -> memref<32xi32, #tpu.memory_space<vmem>>
    %dma_wait3A_206 = arith.constant 0 : i32
    %dma_wait3A_207 = arith.constant 0 : i32
    %dma_wait3A_208 = tpu.memref_slice %arg5[%dma_wait3A_206, %dma_wait3A_207] : memref<1000x64xf32, #tpu.memory_space<hbm>> -> memref<1000x64xf32, #tpu.memory_space<hbm>>
    tpu.wait_indirect_dma semaphore(%arg21 : memref<!tpu.dma_semaphore, #tpu.memory_space<semaphore_mem>>) src(%dma_wait3A_208 : memref<1000x64xf32, #tpu.memory_space<hbm>>) dst(%dma_wait3A_202 : memref<32x64xf32, #tpu.memory_space<vmem>>)
    %add3A_209 = arith.constant 1024 : i32
    %add3A_210 = arith.addi %add3A_209, %mul3A_2 : i32
    %run_scoped3A_211 = arith.constant 1 : i32
    "tpu.region"() ({
      %run_scoped3A_212 = tpu.sem_alloc : memref<!tpu.dma_semaphore, #tpu.memory_space<semaphore_mem>>
      %dma_start3A_213 = arith.constant 0 : i32
      %dma_start3A_214 = arith.constant 0 : i32
      %dma_start3A_215 = tpu.memref_slice %arg11[%run_scoped3A_211, %dma_start3A_213, %dma_start3A_214] : memref<2x32x64xf32, #tpu.memory_space<vmem>> -> memref<1x32x64xf32, #tpu.memory_space<vmem>>
      %dma_start3A_216 = tpu.memref_squeeze %dma_start3A_215 : memref<1x32x64xf32, #tpu.memory_space<vmem>> -> memref<32x64xf32, #tpu.memory_space<vmem>>
      %dma_start3A_217 = arith.constant 0 : i32
      %dma_start3A_218 = tpu.memref_slice %arg7[%add3A_210, %dma_start3A_217] : memref<2048x64xf32, #tpu.memory_space<hbm>> -> memref<32x64xf32, #tpu.memory_space<hbm>>
      %dma_start3A_219 = arith.constant 0 : i32
      %dma_start3A_220 = tpu.memref_slice %arg7[%add3A_210, %dma_start3A_219] : memref<2048x64xf32, #tpu.memory_space<hbm>> -> memref<32x64xf32, #tpu.memory_space<hbm>>
      %dma_start3A_221 = arith.constant 0 : i32
      %dma_start3A_222 = arith.constant 0 : i32
      %dma_start3A_223 = tpu.memref_slice %arg11[%run_scoped3A_211, %dma_start3A_221, %dma_start3A_222] : memref<2x32x64xf32, #tpu.memory_space<vmem>> -> memref<1x32x64xf32, #tpu.memory_space<vmem>>
      %dma_start3A_224 = tpu.memref_squeeze %dma_start3A_223 : memref<1x32x64xf32, #tpu.memory_space<vmem>> -> memref<32x64xf32, #tpu.memory_space<vmem>>
      tpu.enqueue_dma source(%dma_start3A_224 : memref<32x64xf32, #tpu.memory_space<vmem>>) target(%dma_start3A_220 : memref<32x64xf32, #tpu.memory_space<hbm>>) target_semaphore(%run_scoped3A_212 : memref<!tpu.dma_semaphore, #tpu.memory_space<semaphore_mem>>)
      %dma_wait3A_225 = arith.constant 0 : i32
      %dma_wait3A_226 = arith.constant 0 : i32
      %dma_wait3A_227 = tpu.memref_slice %arg11[%run_scoped3A_211, %dma_wait3A_225, %dma_wait3A_226] : memref<2x32x64xf32, #tpu.memory_space<vmem>> -> memref<1x32x64xf32, #tpu.memory_space<vmem>>
      %dma_wait3A_228 = tpu.memref_squeeze %dma_wait3A_227 : memref<1x32x64xf32, #tpu.memory_space<vmem>> -> memref<32x64xf32, #tpu.memory_space<vmem>>
      %dma_wait3A_229 = arith.constant 0 : i32
      %dma_wait3A_230 = tpu.memref_slice %arg7[%add3A_210, %dma_wait3A_229] : memref<2048x64xf32, #tpu.memory_space<hbm>> -> memref<32x64xf32, #tpu.memory_space<hbm>>
      %dma_wait3A_231 = arith.constant 0 : i32
      %dma_wait3A_232 = tpu.memref_slice %arg7[%add3A_210, %dma_wait3A_231] : memref<2048x64xf32, #tpu.memory_space<hbm>> -> memref<32x64xf32, #tpu.memory_space<hbm>>
      %dma_wait3A_233 = arith.constant 0 : i32
      %dma_wait3A_234 = arith.constant 0 : i32
      %dma_wait3A_235 = tpu.memref_slice %arg11[%run_scoped3A_211, %dma_wait3A_233, %dma_wait3A_234] : memref<2x32x64xf32, #tpu.memory_space<vmem>> -> memref<1x32x64xf32, #tpu.memory_space<vmem>>
      %dma_wait3A_236 = tpu.memref_squeeze %dma_wait3A_235 : memref<1x32x64xf32, #tpu.memory_space<vmem>> -> memref<32x64xf32, #tpu.memory_space<vmem>>
      tpu.wait_dma2 semaphore(%run_scoped3A_212 : memref<!tpu.dma_semaphore, #tpu.memory_space<semaphore_mem>>) src(%dma_wait3A_236 : memref<32x64xf32, #tpu.memory_space<vmem>>) dst(%dma_wait3A_232 : memref<32x64xf32, #tpu.memory_space<hbm>>)
      tpu.yield
    }) : () -> ()
    return
  }
}

</mosaic_0001>

<sc_bundles>
// kernel: kernel.3.cloned.1.call-start
scs
__scs_entry_jumppad:
0x0: {  	(pc) =	sbr.rel $0x88, $3  }
0x1: {  	(tag) =	ssettag $0x0;
	lr =	simm.s32 $0x1  }
0x2: {  	[smem:$0x3F9D] =	sst lr;
	_ =	strace $0xD0000000  }
0x3: {  	_ = 	snop  }
0x4: {  	_ = 	snop  }
0x5: {  	_ = 	snop  }
0x6: {  	_ = 	snop  }
0x7: {  	_ = 	snop  }
__scs_overlays_trampoline_lowered:
0x8: {  	[smem:$0x3FAC] =	sst s0  }
0x9: {  	[smem:$0x3FAD] =	sst s1  }
0xa: {  	[smem:$0x3FAE] =	sst s2  }
0xb: {  	[smem:$0x3FAF] =	sst s3  }
0xc: {  	[smem:$0x3FB0] =	sst s4  }
0xd: {  	[smem:$0x3FB1] =	sst s5  }
0xe: {  	[smem:$0x3FB2] =	sst s6  }
0xf: {  	[smem:$0x3FB3] =	sst s7  }
0x10: {  	[smem:$0x3FB4] =	sst s8  }
0x11: {  	[smem:$0x3FB5] =	sst s9;
	s0 =	simm.s32 @!p0 $0x0  }
0x12: {  	s1 =	sld [smem:$0x3F9B];
	s0 =	simm.s32 @p0 $0x1  }
0x13: {  	[smem:$0x3FB6] =	sst s0;
	s0 =	simm.s32 @!p1 $0x0  }
0x14: {  	s2 =	sld [smem:$0x3F9A];
	s0 =	simm.s32 @p1 $0x1  }
0x15: {  	[smem:$0x3FB7] =	sst s0;
	s0 =	simm.s32 @!p2 $0x0  }
0x16: {  	s3 =	sld [smem:$0x3FDB];
	s0 =	simm.s32 @p2 $0x1  }
0x17: {  	s4 =	simm.s32 $0x1BF5;
	[smem:$0x3FB9] =	sst s0  }
0x18: {  	s0 =	sld [smem:$0x3F9C];
	_ =	swait.ge [sflag:s4], $0x0  }
0x19: {  	s7 =	sld [smem:$0x3F9D]  }
0x1a: {  	s8 =	sadd.s32 $0xFFFFE003, lr  }
0x1b: {  	s9 =	sadd.s32 $0xFFFFFEF7, lr;
	s5 =	simm.s32 $0xFFFFFFFF;
	p2 =	slt.u32 s8, $0xFFFFF086  }
0x1c: {  	p1 =	slt.u32 s9, $0xF7A;
	s5 =	simm.s32 @!p2 $0x0  }
0x1d: {  	s5 =	simm.s32 @p1 $0x1;
	p0 =	seq.s32 s7, s2  }
0x1e: {  	s7 =	smul.u32 @!p0 $0xF7A, s2;
	p2 =	seq.s32 @!p0 s5, $0x0  }
0x1f: {  	s9 =	smul.u32 $0xF7A, s1;
	s8 =	simm.s32 @!p0 $0x1BF5;
	p2 =	por !p2, p0  }
0x20: {  	[sflag:s8] =	ssyncset.s32 @!p0 $0xFFFFF086;
	s6 =	sadd.s32 @!p0 s3, s7;
	s7 =	simm.s32 @!p0 $0x108  }
0x21: {  	s3 =	sadd.s32 s3, s9;
	s6 =	sadd.s32 @!p0 $0x88, s6;
	s7 =	simm.s32 @p2 $0x1082  }
0x22: {  	[simem:s7], [sflag:s8] =	dma.local @!p0 [hbm:s6], $0xF7A  }
0x23: {  	s9 =	sor.u32 $0xD0000000, s2;
	s6 =	simm.s32 $0x108;
	_ =	swait.ge @!p0 [sflag:s8], $0x0  }
0x24: {  	s3 =	sadd.s32 $0x88, s3;
	s6 =	simm.s32 @!p1 $0x1082;
	[sflag:s4] =	ssyncset.s32 $0xFFFFF086  }
0x25: {  	[simem:s6], [sflag:s4] =	dma.local [hbm:s3], $0xF7A  }
0x26: {  	[smem:$0x3F9D] =	sst s1;
	(tag) =	ssettag s2;
	_ =	strace s9  }
0x27: {  	s1 =	sld [smem:$0x3FAD]  }
0x28: {  	s2 =	sld [smem:$0x3FAE]  }
0x29: {  	s4 =	sld [smem:$0x3FB0]  }
0x2a: {  	p0 =	seq.s32 s5, $0x0;
	s5 =	sld [smem:$0x3FB1]  }
0x2b: {  	s6 =	sld [smem:$0x3FB2]  }
0x2c: {  	s7 =	sld [smem:$0x3FB3]  }
0x2d: {  	s3 =	simm.s32 $0x108;
	s8 =	sld [smem:$0x3FB4]  }
0x2e: {  	s3 =	simm.s32 @!p0 $0x1082;
	s9 =	sld [smem:$0x3FB5]  }
0x2f: {  	lr =	sadd.s32 s0, s3;
	s0 =	sld [smem:$0x3FAC]  }
0x30: {  	s3 =	sld [smem:$0x3FAF]  }
0x31: {  	[smem:$0x3FB8] =	sst s10  }
0x32: {  	s10 =	sld [smem:$0x3FB6];
	_ =	sdelay $0x3  }
0x33: {  	p0 =	seq.s32 s10, $0x1;
	s10 =	sld [smem:$0x3FB8];
	_ =	sdelay $0x3  }
0x34: {  	[smem:$0x3FB8] =	sst s10  }
0x35: {  	s10 =	sld [smem:$0x3FB7];
	_ =	sdelay $0x3  }
0x36: {  	p1 =	seq.s32 s10, $0x1;
	s10 =	sld [smem:$0x3FB8];
	_ =	sdelay $0x3  }
0x37: {  	[smem:$0x3FB8] =	sst s10  }
0x38: {  	s10 =	sld [smem:$0x3FB9]  }
0x39: {  	_ = 	snop;
	(pc) =	sbr.ind lr, $3  }
0x3a: {  	_ = 	snop  }
0x3b: {  	_ = 	snop  }
0x3c: {  	p2 =	seq.s32 s10, $0x1;
	s10 =	sld [smem:$0x3FB8]  }
0x3d: {  	_ =	shalt  }
0x3e: {  	_ =	shalt  }
0x3f: {  	_ =	shalt  }
0x40: {  	_ =	shalt  }
0x41: {  	_ =	shalt  }
0x42: {  	_ =	shalt  }
0x43: {  	_ =	shalt  }
0x44: {  	_ =	shalt  }
0x45: {  	_ =	shalt  }
0x46: {  	_ =	shalt  }
0x47: {  	_ =	shalt  }
0x48: {  	_ =	shalt  }
0x49: {  	_ =	shalt  }
0x4a: {  	_ =	shalt  }
0x4b: {  	_ =	shalt  }
0x4c: {  	_ =	shalt  }
0x4d: {  	_ =	shalt  }
0x4e: {  	_ =	shalt  }
0x4f: {  	_ =	shalt  }
0x50: {  	_ =	shalt  }
0x51: {  	_ =	shalt  }
0x52: {  	_ =	shalt  }
0x53: {  	_ =	shalt  }
0x54: {  	_ =	shalt  }
0x55: {  	_ =	shalt  }
0x56: {  	_ =	shalt  }
0x57: {  	_ =	shalt  }
0x58: {  	_ =	shalt  }
0x59: {  	_ =	shalt  }
0x5a: {  	_ =	shalt  }
0x5b: {  	_ =	shalt  }
0x5c: {  	_ =	shalt  }
0x5d: {  	_ =	shalt  }
0x5e: {  	_ =	shalt  }
0x5f: {  	_ =	shalt  }
0x60: {  	_ =	shalt  }
0x61: {  	_ =	shalt  }
0x62: {  	_ =	shalt  }
0x63: {  	_ =	shalt  }
0x64: {  	_ =	shalt  }
0x65: {  	_ =	shalt  }
0x66: {  	_ =	shalt  }
0x67: {  	_ =	shalt  }
0x68: {  	_ =	shalt  }
0x69: {  	_ =	shalt  }
0x6a: {  	_ =	shalt  }
0x6b: {  	_ =	shalt  }
0x6c: {  	_ =	shalt  }
0x6d: {  	_ =	shalt  }
0x6e: {  	_ =	shalt  }
0x6f: {  	_ =	shalt  }
0x70: {  	_ =	shalt  }
0x71: {  	_ =	shalt  }
0x72: {  	_ =	shalt  }
0x73: {  	_ =	shalt  }
0x74: {  	_ =	shalt  }
0x75: {  	_ =	shalt  }
0x76: {  	_ =	shalt  }
0x77: {  	_ =	shalt  }
0x78: {  	_ =	shalt  }
0x79: {  	_ =	shalt  }
0x7a: {  	_ =	shalt  }
0x7b: {  	_ =	shalt  }
0x7c: {  	_ =	shalt  }
0x7d: {  	_ =	shalt  }
0x7e: {  	_ =	shalt  }
0x7f: {  	_ =	shalt  }
0x80: {  	_ =	shalt  }
0x81: {  	_ =	shalt  }
0x82: {  	_ =	shalt  }
0x83: {  	_ =	shalt  }
0x84: {  	_ =	shalt  }
0x85: {  	_ =	shalt  }
0x86: {  	_ =	shalt  }
0x87: {  	_ =	shalt  }
.Lfunc_end0:
.L_simem_size_0:
called_computation.1_lowered:
.L_overlay_start_0:
0x88: {  	s2 =	sld [smem:$0x3FD9]  }
0x89: {  	s3 =	sld [smem:$0x3FFE];
	_ =	sdelay $0x1  }
0x8a: {  	s1 =	srdreg.scid  }
0x8b: {  	s0 =	sand.u32 $0x1, s1  }
0x8c: {  	s14 =	sshll.u32 s0, $0xA;
	s2 =	sadd.s32 s3, s2  }
0x8d: {  	s2 =	sadd.s32 s2, s14  }
0x8e: {  	[smem:$0x3FC4] =	sst s2  }
0x8f: {  	_ = 	snop  }
0x90: {  	s2 =	sld [smem:$0x3FD0];
	_ =	sdelay $0x2  }
0x91: {  	s15 =	simm.s32 $0xA;
	s4 =	simm.s32 $0x10  }
0x92: {  	[smem:s4], [sflag:s15] =	dma.local [hbm:s2], $0x1  }
0x93: {  	_ =	swait.eq [sflag:s15], $0x1  }
0x94: {  	s16 =	sld [smem:$0x10];
	[sflag:s15] =	ssyncset.done $0x0  }
0x95: {  	s17 =	sld [smem:$0x11];
	[sflag:s15] =	ssyncadd.s32 $0xFFFFFFFF  }
0x96: {  	s18 =	sld [smem:$0x12];
	(tm) =	ssettm $0x1  }
0x97: {  	s5 =	sld [smem:$0x3FFB];
	_ =	sdelay $0x3  }
0x98: {  	_ =	strace s5  }
0x99: {  	s5 =	sld [smem:$0x3FFC];
	_ =	sdelay $0x3  }
0x9a: {  	_ =	strace s5  }
0x9b: {  	s5 =	sld [smem:$0x3FFD];
	_ =	sdelay $0x3  }
0x9c: {  	_ =	strace s5  }
0x9d: {  	_ =	strace $0x8FFFFFFF  }
0x9e: {  	s19 =	sld [smem:$0x3FDB];
	_ =	sdelay $0x1  }
0x9f: {  	s6 =	simm.s32 $_scs_section_size  }
0xa0: {  	s7 =	simm.s32 $_size__tile_overlayer_lowered;
	s8 =	simm.s32 $_tile_overlayer_lowered  }
0xa1: {  	s22 =	simm.s32 $0x1BFF;
	s21 =	sshll.u32 s8, $0x1;
	s5 =	sadd.s32 s6, s19  }
0xa2: {  	s9 =	simm.s32 $0x0;
	s20 =	sshll.u32 s7, $0x1;
	s7 =	sadd.s32 s21, s5  }
0xa3: {  	[timem:s9], [sflag:s22] =	dma.local [hbm:s7], s20  }
0xa4: {  	_ =	swait.ge [sflag:s22], s20  }
0xa5: {  	s6 =	ssub.s32 $0x0, s20;
	[sflag:s22] =	ssyncset.done $0x0  }
0xa6: {  	[sflag:s22] =	ssyncadd.s32 s6;
	_ =	sdelay $0x1  }
0xa7: {  	s23 =	simm.s32 $0x1B8B  }
0xa8: {  	_ =	swait.ge [sflag:s23], $0x1  }
0xa9: {  	[sflag:s23] =	ssyncset.done $0x0  }
0xaa: {  	s25 =	simm.s32 $0x1B8E;
	s24 =	sld [smem:$0x3FFE];
	[sflag:s23] =	ssyncadd.s32 $0xFFFFFFFF  }
0xab: {  	s26 =	simm.s32 $execute0_lowered;
	[smem:$0x3FD2] =	sst s25  }
0xac: {  	s7 =	sshll.u32 s26, $0x1;
	_ =	strace $0x80000046;
	[dreg:$0x1] =	wrdreg $0xFFFFFFFF  }
0xad: {  	s28 =	simm.s32 $_size_execute0_lowered;
	s5 =	sadd.s32 s5, s7;
	[dreg:$0x0] =	wrdreg $0x0  }
0xae: {  	s7 =	sshll.u32 s28, $0x1;
	[dreg:$0x2] =	wrdreg s5  }
0xaf: {  	[dreg:$0x3] =	wrdreg s7  }
0xb0: {  	[dreg:$0x4] =	wrdreg $0xC0  }
0xb1: {  	_ =	task [dreg:s9], $0x5FFFF  }
0xb2: {  	[dreg:$0x1] =	wrdreg $0xFFFFFFFF  }
0xb3: {  	[dreg:$0x0] =	wrdreg $0x60  }
0xb4: {  	[dreg:$0x2] =	wrdreg s24  }
0xb5: {  	[dreg:$0x3] =	wrdreg s16  }
0xb6: {  	[dreg:$0x4] =	wrdreg s17  }
0xb7: {  	[dreg:$0x5] =	wrdreg s18  }
0xb8: {  	[dreg:$0x6] =	wrdreg $0x9  }
0xb9: {  	_ =	task.clear_ibuf [dreg:s9], $0x7FFFF;
	_ =	strace $0x90000046  }
0xba: {  	s29 =	simm.s32 $0x9;
	_ =	strace $0x80000048  }
0xbb: {  	_ =	swait.ge [sflag:s29], $0x1  }
0xbc: {  	[sflag:s29] =	ssyncadd.s32 $0xFFFFFFFF  }
0xbd: {  	_ =	strace $0x90000048  }
0xbe: {  	_ =	sfence  }
0xbf: {  	s30 =	sld [smem:$0x0];
	_ =	sdelay $0x2  }
0xc0: {  	s31 =	sshll.u32 s1, $0xD;
	s1 =	sshrl.u32 s1, $0x2  }
0xc1: {  	s3 =	sand.u32 $0x4000, s31;
	s1 =	sadd.s32 s1, s30  }
0xc2: {  	s0 =	sor.u32 s3, s0;
	s1 =	sshll.u32 s1, $0x11  }
0xc3: {  	s0 =	sor.u32 s1, s0  }
0xc4: {  	s0 =	sadd.s32 $0x8F2B, s0  }
0xc5: {  	[sflag:s0] =	ssyncadd.remote.s32 $0x1  }
0xc6: {  	_ =	sfence.sel $0xFFFF  }
0xc7: {  	[dreg:$0x0] =	wrdreg $0xFFFFFFFF;
	(pc) =	sbr.abs _section_cstart, $3  }
0xc8: {  	[dreg:$0x1] =	wrdreg $0xFFFFFFFF  }
0xc9: {  	_ =	task.clear_ibuf [dreg:s9], $0x2FFFF;
	_ =	strace $0x9FFFFFFF  }
0xca: {  	(tm) =	ssettm $0x7FFFFFFF  }
0xcb: {  	_ =	shalt  }
tec
execute0_lowered:
.L_overlay_start_1:
0x0: {  	(tag) =	ssettag $0x1  }
0x1: {  	s0 =	rddreg [dreg:$0x0]  }
0x2: {  	s1 =	rddreg [dreg:$0x1];
	s2 =	srdreg.scid  }
0x3: {  	s10 =	stileid.u32;
	s5 =	rddreg [dreg:$0x3]  }
0x4: {  	s3 =	simm.s32 $0x0;
	s11 =	simm.s32 $0xB;
	s14 =	simm.s32 $0x13140  }
0x5: {  	s16 =	simm.s32 $0x13940;
	s17 =	simm.s32 $0x80;
	s18 =	simm.s32 $0x3000  }
0x6: {  	s20 =	simm.s32 $0x1;
	s31 =	simm.s32 $0xB080;
	s21 =	simm.s32 $0xF0C0  }
0x7: {  	s28 =	simm.s32 $0x5;
	s29 =	simm.s32 $0x2;
	s30 =	simm.s32 $0x6  }
0x8: {  	s15 =	simm.s32 $0x8;
	s19 =	simm.s32 $0x9;
	s2 =	sand.u32 $0x1, s2  }
0x9: {  	s4 =	sshll.u32 s10, $0x1;
	[smem:$0x7FF] =	sst s3;
	s10 =	smul.u32 $0x20200, s10  }
0xa: {  	s6 =	sor.u32 s2, s4;
	_ =	strace $0x80000047;
	s23 =	smul.u32 $0x10100, s2  }
0xb: {  	s9 =	ssub.s32 $0x2, s2;
	s2 =	simm.s32 $0x4;
	s4 =	smul.u32 $0x600, s6  }
0xc: {  	s8 =	sshll.u32 s6, $0x8;
	s22 =	sshrl.u32 s9, $0x1;
	s6 =	sshll.u32 s6, $0x3  }
0xd: {  	s25 =	sadd.s32 s10, s5;
	s9 =	ssub.s32 s9, s22;
	s1 =	sadd.s32 s1, s6  }
0xe: {  	s5 =	sadd.s32 s23, s25;
	s23 =	simm.s32 $0x110C0;
	s22 =	simm.s32 $0xA  }
0xf: {  	s25 =	simm.s32 $0x0;
	s7 =	sadd.s32 s4, s0;
	s4 =	sadd.s32 $0xF4EE00, s0  }
.Ltmp0:
0x10: {  	[dreg:$0x6] =	wrdreg s1;
	s26 =	smax.u32 s9, $0x1;
	(pc) =	sbr.rel .LBB2_1-.Ltmp0, $4  }
0x11: {  	s0 =	sadd.s32 s8, s0;
	s7 =	sadd.s32 $0xA00, s7;
	[dreg:$0x9] =	wrdreg s26  }
0x12: {  	s1 =	simm.s32 $0x3;
	s24 =	sadd.s32 $0xCA00, s0;
	[dreg:$0x5] =	wrdreg s7  }
0x13: {  	s0 =	sadd.s32 $0xEA00, s0;
	s26 =	simm.s32 $0x130C0;
	[dreg:$0x7] =	wrdreg s24  }
0x14: {  	[dreg:$0x8] =	wrdreg s0;
	s24 =	simm.s32 $0x7040;
	s0 =	simm.s32 $0x7  }
.LBB2_4:
0x15: {  	_ =	swait.ge [sflag:s19], $0x800  }
0x16: {  	[sflag:s19] =	ssyncset.done $0x0  }
0x17: {  	s6 =	rddreg [dreg:$0x7];
	[sflag:s19] =	ssyncadd.s32 $0xFFFFF800  }
0x18: {  	[hbm4b:s6+s3] =	stream.linear.scatter [tilespmem:s14], [sflag:$0xB], $0x800, $0x38;
	[tilespmem:$0x14140] =	vst v63  }
0x19: {  	_ =	swait.ge [sflag:s11], $0x800  }
0x1a: {  	[sflag:s11] =	ssyncset.done $0x0  }
0x1b: {  	[sflag:s11] =	ssyncadd.s32 $0xFFFFF800  }
0x1c: {  	_ =	swait.ge [sflag:s22], $0x800  }
0x1d: {  	[sflag:s22] =	ssyncset.done $0x0  }
0x1e: {  	s12 =	rddreg [dreg:$0x8];
	[sflag:s22] =	ssyncadd.s32 $0xFFFFF800  }
0x1f: {  	[hbm4b:s12+s3] =	stream.linear.scatter [tilespmem:s16], [sflag:$0xB], $0x800, $0x38;
	[tilespmem:$0x14140] =	vst v63  }
0x20: {  	_ =	swait.ge [sflag:s11], $0x800  }
0x21: {  	s25 =	sadd.s32 $0x1, s25;
	s13 =	rddreg [dreg:$0x9]  }
0x22: {  	p0 =	sne.s32 s25, s13  }
.Ltmp1:
0x23: {  	_ = 	snop;
	(pc) =	sbr.rel @!p0 .LBB2_5-.Ltmp1, $3  }
0x24: {  	_ =	sdelay $0x1  }
0x25: {  	[sflag:s11] =	ssyncset.done $0x0  }
0x26: {  	[sflag:s11] =	ssyncadd.s32 $0xFFFFF800  }
.LBB2_1:
0x27: {  	s6 =	rddreg [dreg:$0x5]  }
0x28: {  	[tilespmem:s3], [sflag:$0xB] =	stream.linear.gather [hbm4b:s6+s3], $0x3000, $0x38;
	[tilespmem:$0x14140] =	vst v63  }
0x29: {  	_ =	swait.ge [sflag:s11], $0x3000  }
0x2a: {  	[sflag:s11] =	ssyncset.done $0x0  }
0x2b: {  	s7 =	simm.s32 $0x13100;
	s10 =	rddreg [dreg:$0x6];
	[sflag:s11] =	ssyncadd.s32 $0xFFFFD000  }
0x2c: {  	[tilespmem:s7], [sflag:$0xB] =	stream.linear.gather [hbm4b:s10+s3], $0x40, $0x38;
	[tilespmem:$0x14140] =	vst v63  }
0x2d: {  	_ =	swait.ge [sflag:s11], $0x40  }
0x2e: {  	[sflag:s11] =	ssyncset.done $0x0  }
0x2f: {  	s8 =	simm.s32 $0x20;
	[sflag:s11] =	ssyncadd.s32 $0xFFFFFFC0  }
0x30: {  	[tilespmem:s14], [sflag:$0x9] =	stream.indirect.gather [hbm4b:s4+s8], $0x40, s7, s8, $0xb8;
	[tilespmem:$0x14140] =	vst v63  }
0x31: {  	s13 =	simm.s32 $0x13120;
	s12 =	rddreg [dreg:$0x2]  }
0x32: {  	[tilespmem:s16], [sflag:$0xA] =	stream.indirect.gather [hbm4b:s12+s8], $0x40, s13, s8, $0xb8;
	[tilespmem:$0x14140] =	vst v63  }
0x33: {  	_ = 	snop  }
0x34: {  	[tilespmem:s18], [sflag:$0x1] =	stream.indirect.gather [hbm4b:s4+s17], $0x40, s3, s17, $0xb8;
	[tilespmem:$0x14140] =	vst v63  }
0x35: {  	s7 =	simm.s32 $0x5000  }
0x36: {  	[tilespmem:s7], [sflag:$0x1] =	stream.indirect.gather [hbm4b:s4+s17], $0x40, s17, s17, $0xb8;
	[tilespmem:$0x14140] =	vst v63  }
0x37: {  	s9 =	simm.s32 $0x7000;
	s8 =	simm.s32 $0x100  }
0x38: {  	[tilespmem:s9], [sflag:$0x1] =	stream.indirect.gather [hbm4b:s4+s20], $0x40, s8, s20, $0xb8;
	[tilespmem:$0x14140] =	vst v63  }
0x39: {  	s10 =	simm.s32 $0x180  }
0x3a: {  	[tilespmem:s24], [sflag:$0x2] =	stream.indirect.gather [hbm4b:s4+s17], $0x40, s10, s17, $0xb8;
	[tilespmem:$0x14140] =	vst v63  }
0x3b: {  	s12 =	simm.s32 $0x200;
	s13 =	simm.s32 $0x9040  }
0x3c: {  	[tilespmem:s13], [sflag:$0x2] =	stream.indirect.gather [hbm4b:s4+s17], $0x40, s12, s17, $0xb8;
	[tilespmem:$0x14140] =	vst v63  }
0x3d: {  	s8 =	simm.s32 $0x280;
	s9 =	simm.s32 $0xB040  }
0x3e: {  	[tilespmem:s9], [sflag:$0x2] =	stream.indirect.gather [hbm4b:s4+s20], $0x40, s8, s20, $0xb8;
	[tilespmem:$0x14140] =	vst v63  }
0x3f: {  	s10 =	simm.s32 $0x300  }
0x40: {  	[tilespmem:s31], [sflag:$0x3] =	stream.indirect.gather [hbm4b:s4+s17], $0x40, s10, s17, $0xb8;
	[tilespmem:$0x14140] =	vst v63  }
0x41: {  	s12 =	simm.s32 $0x380;
	s13 =	simm.s32 $0xD080  }
0x42: {  	[tilespmem:s13], [sflag:$0x3] =	stream.indirect.gather [hbm4b:s4+s17], $0x40, s12, s17, $0xb8;
	[tilespmem:$0x14140] =	vst v63  }
0x43: {  	s8 =	simm.s32 $0x400;
	s9 =	simm.s32 $0xF080  }
0x44: {  	[tilespmem:s9], [sflag:$0x3] =	stream.indirect.gather [hbm4b:s4+s20], $0x40, s8, s20, $0xb8;
	[tilespmem:$0x14140] =	vst v63  }
0x45: {  	s10 =	simm.s32 $0x480  }
0x46: {  	[tilespmem:s21], [sflag:$0x4] =	stream.indirect.gather [hbm4b:s4+s17], $0x40, s10, s17, $0xb8;
	[tilespmem:$0x14140] =	vst v63  }
0x47: {  	s12 =	simm.s32 $0x500  }
0x48: {  	[tilespmem:s23], [sflag:$0x4] =	stream.indirect.gather [hbm4b:s4+s17], $0x40, s12, s17, $0xb8;
	[tilespmem:$0x14140] =	vst v63  }
0x49: {  	s6 =	simm.s32 $0x0;
	s13 =	simm.s32 $0x580;
	s10 =	smov.u32 s5  }
0x4a: {  	[tilespmem:s26], [sflag:$0x4] =	stream.indirect.gather [hbm4b:s4+s20], $0x40, s13, s20, $0xb8;
	[tilespmem:$0x14140] =	vst v63  }
.LBB2_2:
0x4b: {  	_ =	swait.ge [sflag:s20], $0x2000  }
0x4c: {  	[sflag:s20] =	ssyncset.done $0x0  }
0x4d: {  	[sflag:s20] =	ssyncadd.s32 $0xFFFFE000  }
0x4e: {  	_ =	swait.ge [sflag:s20], $0x2000  }
0x4f: {  	[sflag:s20] =	ssyncset.done $0x0  }
0x50: {  	[sflag:s20] =	ssyncadd.s32 $0xFFFFE000  }
0x51: {  	_ =	swait.ge [sflag:s20], $0x40  }
0x52: {  	[sflag:s20] =	ssyncset.done $0x0  }
0x53: {  	[sflag:s20] =	ssyncadd.s32 $0xFFFFFFC0  }
0x54: {  	[hbm4b:s10+s3] =	stream.linear.scatter [tilespmem:s18], [sflag:$0x5], $0x4040, $0x38;
	[tilespmem:$0x14140] =	vst v63  }
0x55: {  	p0 =	seq.s32 s6, $0xA800;
	_ =	swait.ge [sflag:s28], $0x4040  }
0x56: {  	s7 =	sshra.s32 @!p0 s6, $0x2;
	s12 =	simm.s32 @!p0 $0x80;
	[sflag:s28] =	ssyncset.done $0x0  }
0x57: {  	s9 =	simm.s32 @!p0 $0x3000;
	s8 =	sadd.s32 @!p0 $0x600, s7;
	[sflag:s28] =	ssyncadd.s32 $0xFFFFBFC0  }
0x58: {  	[tilespmem:s9], [sflag:$0x1] =	stream.indirect.gather @!p0 [hbm4b:s4+s12], $0x40, s8, s12, $0xb8;
	[tilespmem:$0x14140] =	vst v63  }
0x59: {  	s8 =	sadd.s32 @!p0 $0x680, s7;
	s9 =	simm.s32 @!p0 $0x5000  }
0x5a: {  	[tilespmem:s9], [sflag:$0x1] =	stream.indirect.gather @!p0 [hbm4b:s4+s12], $0x40, s8, s12, $0xb8;
	[tilespmem:$0x14140] =	vst v63  }
0x5b: {  	s13 =	simm.s32 @!p0 $0x7000;
	s8 =	sadd.s32 @!p0 $0x700, s7;
	s9 =	simm.s32 @!p0 $0x1  }
0x5c: {  	[tilespmem:s13], [sflag:$0x1] =	stream.indirect.gather @!p0 [hbm4b:s4+s9], $0x40, s8, s9, $0xb8;
	[tilespmem:$0x14140] =	vst v63  }
0x5d: {  	_ =	swait.ge [sflag:s29], $0x2000  }
0x5e: {  	[sflag:s29] =	ssyncset.done $0x0  }
0x5f: {  	[sflag:s29] =	ssyncadd.s32 $0xFFFFE000  }
0x60: {  	_ =	swait.ge [sflag:s29], $0x2000  }
0x61: {  	[sflag:s29] =	ssyncset.done $0x0  }
0x62: {  	[sflag:s29] =	ssyncadd.s32 $0xFFFFE000  }
0x63: {  	_ =	swait.ge [sflag:s29], $0x40  }
0x64: {  	[sflag:s29] =	ssyncset.done $0x0  }
0x65: {  	s13 =	sadd.s32 $0x808, s10;
	[sflag:s29] =	ssyncadd.s32 $0xFFFFFFC0  }
0x66: {  	[hbm4b:s13+s3] =	stream.linear.scatter [tilespmem:s24], [sflag:$0x6], $0x4040, $0x38;
	[tilespmem:$0x14140] =	vst v63  }
0x67: {  	_ =	swait.ge [sflag:s30], $0x4040  }
0x68: {  	[sflag:s30] =	ssyncset.done $0x0  }
0x69: {  	s8 =	sadd.s32 @!p0 $0x780, s7;
	s13 =	simm.s32 @!p0 $0x7040;
	[sflag:s30] =	ssyncadd.s32 $0xFFFFBFC0  }
0x6a: {  	[tilespmem:s13], [sflag:$0x2] =	stream.indirect.gather @!p0 [hbm4b:s4+s12], $0x40, s8, s12, $0xb8;
	[tilespmem:$0x14140] =	vst v63  }
0x6b: {  	s8 =	sadd.s32 @!p0 $0x800, s7;
	s13 =	simm.s32 @!p0 $0x9040  }
0x6c: {  	[tilespmem:s13], [sflag:$0x2] =	stream.indirect.gather @!p0 [hbm4b:s4+s12], $0x40, s8, s12, $0xb8;
	[tilespmem:$0x14140] =	vst v63  }
0x6d: {  	s8 =	sadd.s32 @!p0 $0x880, s7;
	s13 =	simm.s32 @!p0 $0xB040  }
0x6e: {  	[tilespmem:s13], [sflag:$0x2] =	stream.indirect.gather @!p0 [hbm4b:s4+s9], $0x40, s8, s9, $0xb8;
	[tilespmem:$0x14140] =	vst v63  }
0x6f: {  	_ =	swait.ge [sflag:s1], $0x2000  }
0x70: {  	[sflag:s1] =	ssyncset.done $0x0  }
0x71: {  	[sflag:s1] =	ssyncadd.s32 $0xFFFFE000  }
0x72: {  	_ =	swait.ge [sflag:s1], $0x2000  }
0x73: {  	[sflag:s1] =	ssyncset.done $0x0  }
0x74: {  	[sflag:s1] =	ssyncadd.s32 $0xFFFFE000  }
0x75: {  	_ =	swait.ge [sflag:s1], $0x40  }
0x76: {  	[sflag:s1] =	ssyncset.done $0x0  }
0x77: {  	s13 =	sadd.s32 $0x1010, s10;
	[sflag:s1] =	ssyncadd.s32 $0xFFFFFFC0  }
0x78: {  	[hbm4b:s13+s3] =	stream.linear.scatter [tilespmem:s31], [sflag:$0x7], $0x4040, $0x38;
	[tilespmem:$0x14140] =	vst v63  }
0x79: {  	_ =	swait.ge [sflag:s0], $0x4040  }
0x7a: {  	[sflag:s0] =	ssyncset.done $0x0  }
0x7b: {  	s8 =	sadd.s32 @!p0 $0x900, s7;
	s13 =	simm.s32 @!p0 $0xB080;
	[sflag:s0] =	ssyncadd.s32 $0xFFFFBFC0  }
0x7c: {  	[tilespmem:s13], [sflag:$0x3] =	stream.indirect.gather @!p0 [hbm4b:s4+s12], $0x40, s8, s12, $0xb8;
	[tilespmem:$0x14140] =	vst v63  }
0x7d: {  	s8 =	sadd.s32 @!p0 $0x980, s7;
	s13 =	simm.s32 @!p0 $0xD080  }
0x7e: {  	[tilespmem:s13], [sflag:$0x3] =	stream.indirect.gather @!p0 [hbm4b:s4+s12], $0x40, s8, s12, $0xb8;
	[tilespmem:$0x14140] =	vst v63  }
0x7f: {  	s7 =	sadd.s32 @!p0 $0xA00, s7;
	s8 =	simm.s32 @!p0 $0xF080  }
0x80: {  	[tilespmem:s8], [sflag:$0x3] =	stream.indirect.gather @!p0 [hbm4b:s4+s9], $0x40, s7, s9, $0xb8;
	[tilespmem:$0x14140] =	vst v63  }
0x81: {  	_ =	swait.ge [sflag:s2], $0x2000  }
0x82: {  	[sflag:s2] =	ssyncset.done $0x0  }
0x83: {  	[sflag:s2] =	ssyncadd.s32 $0xFFFFE000  }
0x84: {  	_ =	swait.ge [sflag:s2], $0x2000  }
0x85: {  	[sflag:s2] =	ssyncset.done $0x0  }
0x86: {  	[sflag:s2] =	ssyncadd.s32 $0xFFFFE000  }
0x87: {  	_ =	swait.ge [sflag:s2], $0x40  }
0x88: {  	[sflag:s2] =	ssyncset.done $0x0  }
.Ltmp2:
0x89: {  	s13 =	sadd.s32 $0x1818, s10;
	[sflag:s2] =	ssyncadd.s32 $0xFFFFFFC0;
	(pc) =	sbr.rel @p0 .LBB2_4-.Ltmp2, $4  }
0x8a: {  	[hbm4b:s13+s3] =	stream.linear.scatter [tilespmem:s21], [sflag:$0x8], $0x4040, $0x38;
	[tilespmem:$0x14140] =	vst v63  }
0x8b: {  	_ =	swait.ge [sflag:s15], $0x4040  }
0x8c: {  	[sflag:s15] =	ssyncset.done $0x0  }
0x8d: {  	[sflag:s15] =	ssyncadd.s32 $0xFFFFBFC0  }
0x8e: {  	s7 =	sshra.s32 s6, $0x2  }
0x8f: {  	s8 =	sadd.s32 $0xA80, s7  }
0x90: {  	[tilespmem:s21], [sflag:$0x4] =	stream.indirect.gather [hbm4b:s4+s17], $0x40, s8, s17, $0xb8;
	[tilespmem:$0x14140] =	vst v63  }
.Ltmp3:
0x91: {  	_ = 	snop;
	(pc) =	sbr.rel .LBB2_2-.Ltmp3, $4  }
0x92: {  	s13 =	sadd.s32 $0xB00, s7  }
0x93: {  	[tilespmem:s23], [sflag:$0x4] =	stream.indirect.gather [hbm4b:s4+s17], $0x40, s13, s17, $0xb8;
	[tilespmem:$0x14140] =	vst v63  }
0x94: {  	s6 =	sadd.s32 $0x1800, s6;
	s10 =	sadd.s32 $0x2020, s10;
	s7 =	sadd.s32 $0xB80, s7  }
0x95: {  	[tilespmem:s26], [sflag:$0x4] =	stream.indirect.gather [hbm4b:s4+s20], $0x40, s7, s20, $0xb8;
	[tilespmem:$0x14140] =	vst v63  }
.LBB2_5:
0x96: {  	_ =	sfence.sel $0x180000  }
0x97: {  	[bflag:$0x0] =	sbarrier.arrive $0xFFFF  }
0x98: {  	_ =	strace $0x90000047  }
0x99: {  	s0 =	stileid.u32;
	[bflag:$0x2] =	sbarrier.arrive $0xFFFF  }
0x9a: {  	p0 =	sne.s32 s0, $0x0;
	s0 =	rddreg [dreg:$0x4]  }
0x9b: {  	s0 =	sadd.s32 @!p0 $0x100000, s0  }
0x9c: {  	[sflag:s0] =	ssyncadd.tile.s32 @!p0 $0x1;
	_ =	shalt  }
.Lfunc_end2:
_tile_overlayer_lowered:
.L_overlay_start_2:
0x9d: {  	(tag) =	ssettag $0x2  }
0x9e: {  	s0 =	rddreg [dreg:$0x0];
	s2 =	stileid.u32  }
0x9f: {  	s1 =	rddreg [dreg:$0x1];
	p0 =	sne.s32 s2, $0x0  }
0xa0: {  	s3 =	rddreg [dreg:$0x2];
	[bflag:$0x3] =	sbarrier.arrive $0xFFFF;
	s2 =	simm.s32 @!p0 $0x1C0B  }
0xa1: {  	[timem:s3], [sflag:s2] =	dma.local @!p0 [hbm:s0], s1  }
0xa2: {  	s0 =	simm.s32 @!p0 $0xB  }
0xa3: {  	_ =	swait.ge @!p0 [sflag:s0], s1  }
0xa4: {  	s1 =	ssub.s32 @!p0 $0x0, s1;
	[sflag:s0] =	ssyncset.done @!p0 $0x0  }
0xa5: {  	[sflag:s0] =	ssyncadd.s32 @!p0 s1  }
0xa6: {  	[bflag:$0x3] =	sbarrier.arrive $0xFFFF  }
0xa7: {  	_ =	shalt  }

// kernel: sparse-core-data-format-call.cloned.1.call-start
scs
called_computation_lowered:
.L_overlay_start_0:
0x0: {  	s2 =	sld [smem:$0x3FD9]  }
0x1: {  	s3 =	sld [smem:$0x3FFE];
	_ =	sdelay $0x1  }
0x2: {  	s1 =	srdreg.scid  }
0x3: {  	s0 =	sand.u32 $0x1, s1  }
0x4: {  	s15 =	sshll.u32 s0, $0xA;
	s2 =	sadd.s32 s3, s2  }
0x5: {  	s2 =	sadd.s32 s2, s15  }
0x6: {  	[smem:$0x3FC4] =	sst s2  }
0x7: {  	_ = 	snop  }
0x8: {  	s2 =	sld [smem:$0x3FD0];
	_ =	sdelay $0x2  }
0x9: {  	s16 =	simm.s32 $0xA;
	s4 =	simm.s32 $0x10  }
0xa: {  	[smem:s4], [sflag:s16] =	dma.local [hbm:s2], $0x1  }
0xb: {  	_ =	swait.eq [sflag:s16], $0x1  }
0xc: {  	[sflag:s16] =	ssyncset.done $0x0  }
0xd: {  	[sflag:s16] =	ssyncadd.s32 $0xFFFFFFFF  }
0xe: {  	s17 =	sld [smem:$0x12];
	(tm) =	ssettm $0x1  }
0xf: {  	s18 =	sld [smem:$0x3FFB];
	_ =	sdelay $0x3  }
0x10: {  	_ =	strace s18  }
0x11: {  	s3 =	sld [smem:$0x3FFC];
	_ =	sdelay $0x3  }
0x12: {  	_ =	strace s3  }
0x13: {  	s3 =	sld [smem:$0x3FFD];
	_ =	sdelay $0x3  }
0x14: {  	_ =	strace s3  }
0x15: {  	_ =	strace $0x8FFFFFFF  }
0x16: {  	s19 =	sld [smem:$0x3FDB];
	_ =	sdelay $0x1  }
0x17: {  	s20 =	simm.s32 $_scs_section_size  }
0x18: {  	s5 =	simm.s32 $_size__tile_overlayer_lowered;
	s6 =	simm.s32 $_tile_overlayer_lowered  }
0x19: {  	s23 =	simm.s32 $0x1BFF;
	s22 =	sshll.u32 s6, $0x1;
	s3 =	sadd.s32 s20, s19  }
0x1a: {  	s7 =	simm.s32 $0x0;
	s21 =	sshll.u32 s5, $0x1;
	s5 =	sadd.s32 s22, s3  }
0x1b: {  	[timem:s7], [sflag:s23] =	dma.local [hbm:s5], s21  }
0x1c: {  	_ =	swait.ge [sflag:s23], s21  }
0x1d: {  	s4 =	ssub.s32 $0x0, s21;
	[sflag:s23] =	ssyncset.done $0x0  }
0x1e: {  	[sflag:s23] =	ssyncadd.s32 s4;
	_ =	sdelay $0x1  }
0x1f: {  	s24 =	simm.s32 $0x1B8B  }
0x20: {  	_ =	swait.ge [sflag:s24], $0x1  }
0x21: {  	[sflag:s24] =	ssyncset.done $0x0  }
0x22: {  	s26 =	simm.s32 $0x1B8E;
	s25 =	sld [smem:$0x3FFE];
	[sflag:s24] =	ssyncadd.s32 $0xFFFFFFFF  }
0x23: {  	s27 =	simm.s32 $execute0_lowered;
	[smem:$0x3FD2] =	sst s26  }
0x24: {  	s5 =	sshll.u32 s27, $0x1;
	_ =	strace $0x80000049;
	[dreg:$0x1] =	wrdreg $0xFFFFFFFF  }
0x25: {  	s28 =	simm.s32 $_size_execute0_lowered;
	s3 =	sadd.s32 s3, s5;
	[dreg:$0x0] =	wrdreg $0x0  }
0x26: {  	s5 =	sshll.u32 s28, $0x1;
	[dreg:$0x2] =	wrdreg s3  }
0x27: {  	[dreg:$0x3] =	wrdreg s5  }
0x28: {  	[dreg:$0x4] =	wrdreg $0xC0  }
0x29: {  	_ =	task [dreg:s7], $0x5FFFF  }
0x2a: {  	[dreg:$0x1] =	wrdreg $0xFFFFFFFF  }
0x2b: {  	[dreg:$0x0] =	wrdreg $0x60  }
0x2c: {  	[dreg:$0x2] =	wrdreg s25  }
0x2d: {  	[dreg:$0x3] =	wrdreg s17  }
0x2e: {  	[dreg:$0x4] =	wrdreg $0x9  }
0x2f: {  	_ =	task.clear_ibuf [dreg:s7], $0x5FFFF;
	_ =	strace $0x90000049  }
0x30: {  	s29 =	simm.s32 $0x9;
	_ =	strace $0x8000004B  }
0x31: {  	_ =	swait.ge [sflag:s29], $0x1  }
0x32: {  	[sflag:s29] =	ssyncadd.s32 $0xFFFFFFFF  }
0x33: {  	_ =	strace $0x9000004B  }
0x34: {  	_ =	sfence  }
0x35: {  	s30 =	sld [smem:$0x0];
	_ =	sdelay $0x2  }
0x36: {  	s31 =	sshll.u32 s1, $0xD;
	s1 =	sshrl.u32 s1, $0x2  }
0x37: {  	s3 =	sand.u32 $0x4000, s31;
	s1 =	sadd.s32 s1, s30  }
0x38: {  	s0 =	sor.u32 s3, s0;
	s1 =	sshll.u32 s1, $0x11  }
0x39: {  	s0 =	sor.u32 s1, s0  }
0x3a: {  	s0 =	sadd.s32 $0x8F2B, s0  }
0x3b: {  	[sflag:s0] =	ssyncadd.remote.s32 $0x1  }
0x3c: {  	_ =	sfence.sel $0xFFFF  }
0x3d: {  	[dreg:$0x0] =	wrdreg $0xFFFFFFFF;
	(pc) =	sbr.abs _section_cstart, $3  }
0x3e: {  	[dreg:$0x1] =	wrdreg $0xFFFFFFFF  }
0x3f: {  	_ =	task.clear_ibuf [dreg:s7], $0x2FFFF;
	_ =	strace $0x9FFFFFFF  }
0x40: {  	(tm) =	ssettm $0x7FFFFFFF  }
0x41: {  	_ =	shalt  }
tec
execute0_lowered:
.L_overlay_start_1:
0x0: {  	(tag) =	ssettag $0x1  }
0x1: {  	s0 =	stileid.u32  }
0x2: {  	s7 =	rddreg [dreg:$0x0];
	s1 =	srdreg.scid  }
0x3: {  	s2 =	rddreg [dreg:$0x1];
	s31 =	simm.s32 $0x2;
	s13 =	simm.s32 $0x0  }
0x4: {  	s14 =	simm.s32 $0x0;
	s3 =	sshll.u32 s0, $0x7;
	s4 =	sshll.u32 s1, $0x4  }
0x5: {  	s12 =	simm.s32 $0x0;
	s3 =	sand.u32 $0x380, s3;
	s4 =	sand.u32 $0x10, s4  }
0x6: {  	s1 =	rddreg [dreg:$0x2];
	s5 =	ssub.s32 $0x400, s3;
	s4 =	sor.u32 s0, s4  }
0x7: {  	_ =	strace $0x8000004A;
	s6 =	sand.u32 $0x380, s5;
	s4 =	sshrl.u32 s4, $0x3  }
0x8: {  	s8 =	sshrl.u32 s5, $0xA;
	p0 =	sne.s32 s6, $0x0;
	s6 =	simm.s32 $0x1  }
.Ltmp0:
0x9: {  	s9 =	ssub.s32 $0x104, s4;
	s6 =	simm.s32 @!p0 $0x0;
	(pc) =	sbr.rel .LBB1_1-.Ltmp0, $4  }
0xa: {  	s5 =	simm.s32 $0x1;
	s30 =	sshrl.u32 s9, $0x2;
	s6 =	sadd.s32 s6, s8  }
0xb: {  	s7 =	sadd.s32 $0x10A00, s7;
	[sflag:s5] =	ssyncpa.u1 $0x0;
	s6 =	smul.u32 s30, s6  }
0xc: {  	s11 =	smov.u32 s3;
	s10 =	smov.u32 s4;
	[sflag:s31] =	ssyncpa.u1 $0x0  }
0xd: {  	p0 =	por $0x0, $0x0;
	s9 =	simm.s32 $0x2000;
	s8 =	sadd.s32 $0x1, s6  }
.LBB1_4:
0xe: {  	s17 =	sand.u32 $0x1F80, s14;
	s13 =	sshll.u32 s13, $0xD  }
0xf: {  	[tilespmem:s16+$0x810 ss:$0x81] =	vst.msk $0xffff, v2;
	s18 =	sshrl.u32 s14, $0x3;
	s31 =	sand.u32 $0x7, s14;
	s17 =	sadd.s32 s2, s17  }
0x10: {  	[tilespmem:s16+$0x1020 ss:$0x81] =	vst.msk $0xffff, v0;
	s18 =	sand.u32 $0xF, s18;
	s14 =	sshll.u32 s31, $0x12;
	s13 =	sadd.s32 s13, s17  }
0x11: {  	[tilespmem:s16+$0x0 ss:$0x81] =	vst.msk $0xffff, v1;
	s14 =	sor.u32 $0x400, s14;
	s13 =	sadd.s32 s18, s13  }
0x12: {  	[hbm4b:s13+s14] =	stream.strided.scatter [tilespmem:s15], [sflag:$0x2], $0x2000, s9, s14, $0x20;
	[tilespmem:$0x8080] =	vst v63  }
.LBB1_5:
0x13: {  	s15 =	sadd.s32 $0x4, s10  }
0x14: {  	s13 =	sadd.s32 $0x400, s11;
	s17 =	smov.u32 s11;
	p2 =	sgt.s32 s15, $0x100  }
0x15: {  	s17 =	smov.u32 @p2 s13  }
0x16: {  	s15 =	smov.u32 @p2 s4;
	p2 =	sgt.s32 s17, $0x3FF  }
0x17: {  	s17 =	smov.u32 @p2 s3;
	p2 =	sne.s32 s12, s8  }
.Ltmp1:
0x18: {  	p1 =	slt.u32 s12, $0x2;
	(pc) =	sbr.rel @!p2 .LBB1_6-.Ltmp1, $4  }
0x19: {  	s16 =	simm.s32 @!p1 $0x2  }
0x1a: {  	s14 =	smov.u32 s11;
	p0 =	por !p0, !p0;
	_ =	swait.ge @!p1 [sflag:s16], $0x2000  }
0x1b: {  	s13 =	smov.u32 s10;
	[sflag:s16] =	ssyncset.done @!p1 $0x0;
	s10 =	smov.u32 s15  }
0x1c: {  	s12 =	sadd.s32 $0x1, s12;
	[sflag:s16] =	ssyncadd.s32 @!p1 $0xFFFFE000;
	s11 =	smov.u32 s17  }
.LBB1_1:
0x1d: {  	p1 =	sge.u32 s12, s6  }
0x1e: {  	s15 =	sand.u32 @!p1 $0x1FFFFFF, s10  }
0x1f: {  	s16 =	smulhi.u32 @!p1 $0xF83E10, s15;
	_ =	sdelay $0x1  }
0x20: {  	s16 =	smul.u32 @!p1 $0x108, s16  }
0x21: {  	s17 =	sxor.u32 @!p1 $0xFFFFFFFF, s12;
	s18 =	smul.u32 @!p1 $0x1080, s11  }
0x22: {  	s31 =	sadd.s32 $0xFFFFFFFF, s12;
	s17 =	sshll.u32 @!p1 s17, $0xD;
	s15 =	ssub.s32 @!p1 s15, s16  }
0x23: {  	s16 =	sand.u32 @!p1 $0x2000, s17;
	s17 =	sadd.s32 @!p1 s7, s18;
	s15 =	sshll.u32 @!p1 s15, $0x4  }
0x24: {  	s18 =	simm.s32 @!p1 $0x8400;
	s15 =	sadd.s32 @!p1 s15, s17;
	s17 =	simm.s32 @!p1 $0x40  }
0x25: {  	[tilespmem:s16], [sflag:$0x1] =	stream.strided.gather @!p1 [hbm4b:s15+s17], $0x2000, s18, s17, $0x38;
	[tilespmem:$0x8080] =	vst v63  }
0x26: {  	p1 =	sge.u32 s31, s6  }
.Ltmp2:
0x27: {  	_ = 	snop;
	(pc) =	sbr.rel @p1 .LBB1_5-.Ltmp2, $1  }
0x28: {  	_ =	sdelay $0x3  }
0x29: {  	s15 =	simm.s32 $0x1  }
0x2a: {  	_ =	swait.ge [sflag:s5], $0x2000;
	s15 =	simm.s32 @!p0 $0x0  }
0x2b: {  	[sflag:s5] =	ssyncset.done $0x0;
	s16 =	sshll.u32 s15, $0xD  }
0x2c: {  	[sflag:s5] =	ssyncadd.s32 $0xFFFFE000;
	s19 =	sor.u32 $0x20, s16  }
0x2d: {  	s15 =	smul.u32 $0x8100, s15;
	v3 =	vld [tilespmem:s19+$0x10]  }
0x2e: {  	s30 =	sand.u32 $0x1, s12;
	v2 =	vld [tilespmem:s19+$0xFFFFFFF0]  }
0x2f: {  	s16 =	smul.u32 $0x8100, s30;
	s15 =	sshrl.u32 s15, $0x2;
	v0 =	vld [tilespmem:s19+$0x0]  }
0x30: {  	v1 =	vld [tilespmem:s19+$0xFFFFFFE0];
	s17 =	sor.u32 $0x4000, s15  }
0x31: {  	s31 =	sshrl.u32 s16, $0x2;
	s16 =	sadd.s32 $0x0, s17  }
0x32: {  	s18 =	simm.s32 $0x4;
	s19 =	sadd.s32 $0x40, s19;
	s15 =	sor.u32 $0x4000, s31;
	[tilespmem:s16+$0x1830 ss:$0x81] =	vst.msk $0xffff, v3  }
.LBB1_3:
0x33: {  	v3 =	vld [tilespmem:s19+$0x10];
	p1 =	sne.s32 s18, $0x1FC;
	[tilespmem:s16+$0x810 ss:$0x81] =	vst.msk $0xffff, v2;
	s20 =	smov.u32 s18;
	s18 =	sadd.s32 $0x4, s18  }
.Ltmp3:
0x34: {  	v2 =	vld [tilespmem:s19+$0xFFFFFFF0];
	[tilespmem:s16+$0x1020 ss:$0x81] =	vst.msk $0xffff, v0;
	(pc) =	sbr.rel @p1 .LBB1_3-.Ltmp3, $4  }
0x35: {  	v0 =	vld [tilespmem:s19+$0x0];
	[tilespmem:s16+$0x0 ss:$0x81] =	vst.msk $0xffff, v1  }
0x36: {  	s16 =	sshra.s32 s20, $0x2;
	v1 =	vld [tilespmem:s19+$0xFFFFFFE0]  }
0x37: {  	s16 =	sadd.s32 s16, s17  }
0x38: {  	s19 =	sadd.s32 $0x40, s19;
	[tilespmem:s16+$0x1830 ss:$0x81] =	vst.msk $0xffff, v3  }
.Ltmp4:
0x39: {  	_ = 	snop;
	(pc) =	sbr.rel .LBB1_4-.Ltmp4, $1  }
0x3a: {  	_ =	sdelay $0x3  }
.LBB1_6:
0x3b: {  	_ =	sfence.sel $0x180000  }
0x3c: {  	s2 =	simm.s32 $0x1;
	[bflag:$0x0] =	sbarrier.arrive $0xFFFF  }
0x3d: {  	s31 =	simm.s32 $0x2;
	[sflag:s2] =	ssyncpa.u1 $0x1  }
0x3e: {  	[sflag:s31] =	ssyncpa.u1 $0x1  }
0x3f: {  	p0 =	sne.s32 s0, $0x0;
	_ =	strace $0x9000004A  }
0x40: {  	s0 =	sadd.s32 @!p0 $0x100000, s1;
	[bflag:$0x2] =	sbarrier.arrive $0xFFFF  }
0x41: {  	[sflag:s0] =	ssyncadd.tile.s32 @!p0 $0x1;
	_ =	shalt  }
.Lfunc_end1:
_tile_overlayer_lowered:
.L_overlay_start_2:
0x42: {  	(tag) =	ssettag $0x2  }
0x43: {  	s0 =	rddreg [dreg:$0x0];
	s2 =	stileid.u32  }
0x44: {  	s1 =	rddreg [dreg:$0x1];
	p0 =	sne.s32 s2, $0x0  }
0x45: {  	s3 =	rddreg [dreg:$0x2];
	[bflag:$0x3] =	sbarrier.arrive $0xFFFF;
	s2 =	simm.s32 @!p0 $0x1C01  }
0x46: {  	[timem:s3], [sflag:s2] =	dma.local @!p0 [hbm:s0], s1  }
0x47: {  	s0 =	simm.s32 @!p0 $0x1  }
0x48: {  	_ =	swait.ge @!p0 [sflag:s0], s1  }
0x49: {  	s1 =	ssub.s32 @!p0 $0x0, s1;
	[sflag:s0] =	ssyncset.done @!p0 $0x0  }
0x4a: {  	[sflag:s0] =	ssyncadd.s32 @!p0 s1  }
0x4b: {  	[bflag:$0x3] =	sbarrier.arrive $0xFFFF  }
0x4c: {  	_ =	shalt  }

</sc_bundles>
